<compile_context>
chip_gen: v7x
topology: tpu7x:2x2x1
jax: 0.10.2.dev20260603
libtpu: 0.0.44.dev20260713+nightly
codegen_flags: <defaults>
</compile_context>

<pallas_src>
import functools

import jax
import jax.numpy as jnp
from jax import lax
from jax.experimental import pallas as pl
from jax.experimental.pallas import tpu as pltpu
from jax.experimental.pallas import tpu_sc as plsc


def _embed_call(NW, NC, B, S, D, CR, SP, DP):
    mesh = plsc.VectorSubcoreMesh(core_axis_name="c", subcore_axis_name="s")
    rows_w = B // NW
    n_chunks = rows_w // CR

    @functools.partial(
        pl.kernel,
        mesh=mesh,
        compiler_params=pltpu.CompilerParams(use_tc_tiling_on_sc=False),
        out_type=jax.ShapeDtypeStruct((B, SP, DP), jnp.float32),
        scratch_types=[
            pltpu.VMEM((rows_w, S), jnp.int32),
            pltpu.VMEM((2, CR, S, D), jnp.float32),
            pltpu.SemaphoreType.DMA,
            pltpu.SemaphoreType.DMA,
        ],
    )
    def k(idx_hbm, table_hbm, out_hbm, idx_v, rows_v, sem0, sem1):
        wid = lax.axis_index("s") * NC + lax.axis_index("c")
        base = wid * rows_w
        pltpu.sync_copy(idx_hbm.at[pl.ds(base, rows_w)], idx_v)
        sems = (sem0, sem1)

        def start_chunk(j, buf, sem):
            for rr in range(CR):
                pltpu.async_copy(
                    table_hbm.at[idx_v.at[j * CR + rr]], rows_v.at[buf, rr], sem
                )

        def drain_chunk(buf, sem):
            for rr in range(CR):
                pltpu.make_async_copy(
                    table_hbm.at[pl.ds(0, S)], rows_v.at[buf, rr], sem
                ).wait()

        start_chunk(0, 0, sem0)

        def pair(g, carry):
            for b in range(2):
                j = 2 * g + b
                nb = (b + 1) % 2

                @pl.when(j + 1 < n_chunks)
                def _():
                    start_chunk(j + 1, nb, sems[nb])

                drain_chunk(b, sems[b])
                pltpu.sync_copy(
                    rows_v.at[b],
                    out_hbm.at[
                        pl.ds(base + j * CR, CR), pl.ds(0, S), pl.ds(0, D)
                    ],
                )
            return carry

        lax.fori_loop(0, n_chunks // 2, pair, 0)

    return k


def kernel(input, table):
    B, S = input.shape
    V, D = table.shape
    SP = -(-S // 8) * 8
    DP = -(-D // 128) * 128

    info = plsc.get_sparse_core_info()
    NC, NS = info.num_cores, info.num_subcores
    NW = NC * NS
    CR = 8

    out4 = _embed_call(NW, NC, B, S, D, CR, SP, DP)(input.astype(jnp.int32), table)
    return out4[:, :S, :D]

# --- scband reference (transcript-rebuilt; emitter-appended) ---
"""Pipeline reference for scband-word-embedding-model-30700426232491 (READ-ONLY COPY).

The authoritative reference and input builder live on the scoring server;
editing this copy changes nothing except your own understanding.
"""

import jax, jax.numpy as jnp
import numpy as np

VOCAB = 1000000
EMB = 64

def setup_inputs(seed: int = 0) -> dict:
    key = jax.random.key(seed)
    k_idx, k_tab = jax.random.split(key)
    input = jax.random.randint(k_idx, (16384, 50), 0, VOCAB, dtype=jnp.int64)
    table = jax.random.normal(k_tab, (VOCAB, EMB), dtype=jnp.float32)
    return {"input": input, "table": table}

def reference(input, table):
    # nn.Embedding forward: row gather from the embedding table
    return jnp.take(table, input, axis=0)

if __name__ == "__main__":
    import jax
    _d = setup_inputs()
    print(jax.jit(kernel)(*tuple(_d.values())))

</pallas_src>

<mosaic_0001>
#map = affine_map<(d0, d1) -> (0, 0)>
#map1 = affine_map<(d0, d1) -> (0, 0, 0)>
module attributes {stable_mosaic.version = 14 : i64} {
  func.func @k(%arg0: i32, %arg1: i32, %arg2: memref<16384x50xi32, #tpu.memory_space<hbm>>, %arg3: memref<1000000x64xf32, #tpu.memory_space<hbm>>, %arg4: memref<16384x56x128xf32, #tpu.memory_space<hbm>>, %arg5: memref<512x50xi32, #tpu.memory_space<vmem>>, %arg6: memref<2x8x50x64xf32, #tpu.memory_space<vmem>>, %arg7: memref<!tpu.dma_semaphore, #tpu.memory_space<semaphore_mem>>, %arg8: memref<!tpu.dma_semaphore, #tpu.memory_space<semaphore_mem>>) attributes {dimension_semantics = [#tpu.dimension_semantics<core_parallel>, #tpu.dimension_semantics<subcore_parallel>], iteration_bounds = array<i64: 2, 16>, scalar_prefetch = 0 : i64, scratch_operands = 4 : i64, tpu.core_type = #tpu.core_type<sc_vector_subcore>, window_params = [{transform_indices = #map}, {transform_indices = #map}, {transform_indices = #map1}]} {
    %mul3A = arith.constant 2 : i32
    %mul3A_0 = arith.muli %arg1, %mul3A : i32
    %add3A = arith.addi %mul3A_0, %arg0 : i32
    %mul3A_1 = arith.constant 512 : i32
    %mul3A_2 = arith.muli %add3A, %mul3A_1 : i32
    "tpu.region"() ({
      %run_scoped3A = tpu.sem_alloc : memref<!tpu.dma_semaphore, #tpu.memory_space<semaphore_mem>>
      %dma_start3A_111 = arith.constant 0 : i32
      %dma_start3A_112 = tpu.memref_slice %arg2[%mul3A_2, %dma_start3A_111] : memref<16384x50xi32, #tpu.memory_space<hbm>> -> memref<512x50xi32, #tpu.memory_space<hbm>>
      %dma_start3A_113 = arith.constant 0 : i32
      %dma_start3A_114 = tpu.memref_slice %arg2[%mul3A_2, %dma_start3A_113] : memref<16384x50xi32, #tpu.memory_space<hbm>> -> memref<512x50xi32, #tpu.memory_space<hbm>>
      tpu.enqueue_dma source(%dma_start3A_114 : memref<512x50xi32, #tpu.memory_space<hbm>>) target(%arg5 : memref<512x50xi32, #tpu.memory_space<vmem>>) target_semaphore(%run_scoped3A : memref<!tpu.dma_semaphore, #tpu.memory_space<semaphore_mem>>)
      %dma_wait3A = arith.constant 0 : i32
      %dma_wait3A_115 = tpu.memref_slice %arg2[%mul3A_2, %dma_wait3A] : memref<16384x50xi32, #tpu.memory_space<hbm>> -> memref<512x50xi32, #tpu.memory_space<hbm>>
      %dma_wait3A_116 = arith.constant 0 : i32
      %dma_wait3A_117 = tpu.memref_slice %arg2[%mul3A_2, %dma_wait3A_116] : memref<16384x50xi32, #tpu.memory_space<hbm>> -> memref<512x50xi32, #tpu.memory_space<hbm>>
      tpu.wait_dma2 semaphore(%run_scoped3A : memref<!tpu.dma_semaphore, #tpu.memory_space<semaphore_mem>>) src(%dma_wait3A_117 : memref<512x50xi32, #tpu.memory_space<hbm>>) dst(%arg5 : memref<512x50xi32, #tpu.memory_space<vmem>>)
      tpu.yield
    }) : () -> ()
    %dma_start3A = arith.constant 0 : i32
    %dma_start3A_3 = arith.constant 0 : i32
    %dma_start3A_4 = arith.constant 0 : i32
    %dma_start3A_5 = arith.constant 0 : i32
    %dma_start3A_6 = arith.constant 0 : i32
    %dma_start3A_7 = tpu.memref_slice %arg6[%dma_start3A_3, %dma_start3A_4, %dma_start3A_5, %dma_start3A_6] : memref<2x8x50x64xf32, #tpu.memory_space<vmem>> -> memref<1x1x50x64xf32, #tpu.memory_space<vmem>>
    %dma_start3A_8 = tpu.memref_squeeze %dma_start3A_7 : memref<1x1x50x64xf32, #tpu.memory_space<vmem>> -> memref<50x64xf32, #tpu.memory_space<vmem>>
    %dma_start3A_9 = arith.constant 0 : i32
    %dma_start3A_10 = tpu.memref_slice %arg5[%dma_start3A, %dma_start3A_9] : memref<512x50xi32, #tpu.memory_space<vmem>> -> memref<1x50xi32, #tpu.memory_space<vmem>>
    %dma_start3A_11 = tpu.memref_squeeze %dma_start3A_10 : memref<1x50xi32, #tpu.memory_space<vmem>> -> memref<50xi32, #tpu.memory_space<vmem>>
    %dma_start3A_12 = arith.constant 0 : i32
    %dma_start3A_13 = arith.constant 0 : i32
    %dma_start3A_14 = tpu.memref_slice %arg3[%dma_start3A_12, %dma_start3A_13] : memref<1000000x64xf32, #tpu.memory_space<hbm>> -> memref<1000000x64xf32, #tpu.memory_space<hbm>>
    tpu.enqueue_indirect_dma source(%dma_start3A_14 : memref<1000000x64xf32, #tpu.memory_space<hbm>>) target(%dma_start3A_8 : memref<50x64xf32, #tpu.memory_space<vmem>>) offsets(%dma_start3A_11 : memref<50xi32, #tpu.memory_space<vmem>>) semaphore(%arg7 : memref<!tpu.dma_semaphore, #tpu.memory_space<semaphore_mem>>)
    %dma_start3A_15 = arith.constant 1 : i32
    %dma_start3A_16 = arith.constant 0 : i32
    %dma_start3A_17 = arith.constant 1 : i32
    %dma_start3A_18 = arith.constant 0 : i32
    %dma_start3A_19 = arith.constant 0 : i32
    %dma_start3A_20 = tpu.memref_slice %arg6[%dma_start3A_16, %dma_start3A_17, %dma_start3A_18, %dma_start3A_19] : memref<2x8x50x64xf32, #tpu.memory_space<vmem>> -> memref<1x1x50x64xf32, #tpu.memory_space<vmem>>
    %dma_start3A_21 = tpu.memref_squeeze %dma_start3A_20 : memref<1x1x50x64xf32, #tpu.memory_space<vmem>> -> memref<50x64xf32, #tpu.memory_space<vmem>>
    %dma_start3A_22 = arith.constant 0 : i32
    %dma_start3A_23 = tpu.memref_slice %arg5[%dma_start3A_15, %dma_start3A_22] : memref<512x50xi32, #tpu.memory_space<vmem>> -> memref<1x50xi32, #tpu.memory_space<vmem>>
    %dma_start3A_24 = tpu.memref_squeeze %dma_start3A_23 : memref<1x50xi32, #tpu.memory_space<vmem>> -> memref<50xi32, #tpu.memory_space<vmem>>
    %dma_start3A_25 = arith.constant 0 : i32
    %dma_start3A_26 = arith.constant 0 : i32
    %dma_start3A_27 = tpu.memref_slice %arg3[%dma_start3A_25, %dma_start3A_26] : memref<1000000x64xf32, #tpu.memory_space<hbm>> -> memref<1000000x64xf32, #tpu.memory_space<hbm>>
    tpu.enqueue_indirect_dma source(%dma_start3A_27 : memref<1000000x64xf32, #tpu.memory_space<hbm>>) target(%dma_start3A_21 : memref<50x64xf32, #tpu.memory_space<vmem>>) offsets(%dma_start3A_24 : memref<50xi32, #tpu.memory_space<vmem>>) semaphore(%arg7 : memref<!tpu.dma_semaphore, #tpu.memory_space<semaphore_mem>>)
    %dma_start3A_28 = arith.constant 2 : i32
    %dma_start3A_29 = arith.constant 0 : i32
    %dma_start3A_30 = arith.constant 2 : i32
    %dma_start3A_31 = arith.constant 0 : i32
    %dma_start3A_32 = arith.constant 0 : i32
    %dma_start3A_33 = tpu.memref_slice %arg6[%dma_start3A_29, %dma_start3A_30, %dma_start3A_31, %dma_start3A_32] : memref<2x8x50x64xf32, #tpu.memory_space<vmem>> -> memref<1x1x50x64xf32, #tpu.memory_space<vmem>>
    %dma_start3A_34 = tpu.memref_squeeze %dma_start3A_33 : memref<1x1x50x64xf32, #tpu.memory_space<vmem>> -> memref<50x64xf32, #tpu.memory_space<vmem>>
    %dma_start3A_35 = arith.constant 0 : i32
    %dma_start3A_36 = tpu.memref_slice %arg5[%dma_start3A_28, %dma_start3A_35] : memref<512x50xi32, #tpu.memory_space<vmem>> -> memref<1x50xi32, #tpu.memory_space<vmem>>
    %dma_start3A_37 = tpu.memref_squeeze %dma_start3A_36 : memref<1x50xi32, #tpu.memory_space<vmem>> -> memref<50xi32, #tpu.memory_space<vmem>>
    %dma_start3A_38 = arith.constant 0 : i32
    %dma_start3A_39 = arith.constant 0 : i32
    %dma_start3A_40 = tpu.memref_slice %arg3[%dma_start3A_38, %dma_start3A_39] : memref<1000000x64xf32, #tpu.memory_space<hbm>> -> memref<1000000x64xf32, #tpu.memory_space<hbm>>
    tpu.enqueue_indirect_dma source(%dma_start3A_40 : memref<1000000x64xf32, #tpu.memory_space<hbm>>) target(%dma_start3A_34 : memref<50x64xf32, #tpu.memory_space<vmem>>) offsets(%dma_start3A_37 : memref<50xi32, #tpu.memory_space<vmem>>) semaphore(%arg7 : memref<!tpu.dma_semaphore, #tpu.memory_space<semaphore_mem>>)
    %dma_start3A_41 = arith.constant 3 : i32
    %dma_start3A_42 = arith.constant 0 : i32
    %dma_start3A_43 = arith.constant 3 : i32
    %dma_start3A_44 = arith.constant 0 : i32
    %dma_start3A_45 = arith.constant 0 : i32
    %dma_start3A_46 = tpu.memref_slice %arg6[%dma_start3A_42, %dma_start3A_43, %dma_start3A_44, %dma_start3A_45] : memref<2x8x50x64xf32, #tpu.memory_space<vmem>> -> memref<1x1x50x64xf32, #tpu.memory_space<vmem>>
    %dma_start3A_47 = tpu.memref_squeeze %dma_start3A_46 : memref<1x1x50x64xf32, #tpu.memory_space<vmem>> -> memref<50x64xf32, #tpu.memory_space<vmem>>
    %dma_start3A_48 = arith.constant 0 : i32
    %dma_start3A_49 = tpu.memref_slice %arg5[%dma_start3A_41, %dma_start3A_48] : memref<512x50xi32, #tpu.memory_space<vmem>> -> memref<1x50xi32, #tpu.memory_space<vmem>>
    %dma_start3A_50 = tpu.memref_squeeze %dma_start3A_49 : memref<1x50xi32, #tpu.memory_space<vmem>> -> memref<50xi32, #tpu.memory_space<vmem>>
    %dma_start3A_51 = arith.constant 0 : i32
    %dma_start3A_52 = arith.constant 0 : i32
    %dma_start3A_53 = tpu.memref_slice %arg3[%dma_start3A_51, %dma_start3A_52] : memref<1000000x64xf32, #tpu.memory_space<hbm>> -> memref<1000000x64xf32, #tpu.memory_space<hbm>>
    tpu.enqueue_indirect_dma source(%dma_start3A_53 : memref<1000000x64xf32, #tpu.memory_space<hbm>>) target(%dma_start3A_47 : memref<50x64xf32, #tpu.memory_space<vmem>>) offsets(%dma_start3A_50 : memref<50xi32, #tpu.memory_space<vmem>>) semaphore(%arg7 : memref<!tpu.dma_semaphore, #tpu.memory_space<semaphore_mem>>)
    %dma_start3A_54 = arith.constant 4 : i32
    %dma_start3A_55 = arith.constant 0 : i32
    %dma_start3A_56 = arith.constant 4 : i32
    %dma_start3A_57 = arith.constant 0 : i32
    %dma_start3A_58 = arith.constant 0 : i32
    %dma_start3A_59 = tpu.memref_slice %arg6[%dma_start3A_55, %dma_start3A_56, %dma_start3A_57, %dma_start3A_58] : memref<2x8x50x64xf32, #tpu.memory_space<vmem>> -> memref<1x1x50x64xf32, #tpu.memory_space<vmem>>
    %dma_start3A_60 = tpu.memref_squeeze %dma_start3A_59 : memref<1x1x50x64xf32, #tpu.memory_space<vmem>> -> memref<50x64xf32, #tpu.memory_space<vmem>>
    %dma_start3A_61 = arith.constant 0 : i32
    %dma_start3A_62 = tpu.memref_slice %arg5[%dma_start3A_54, %dma_start3A_61] : memref<512x50xi32, #tpu.memory_space<vmem>> -> memref<1x50xi32, #tpu.memory_space<vmem>>
    %dma_start3A_63 = tpu.memref_squeeze %dma_start3A_62 : memref<1x50xi32, #tpu.memory_space<vmem>> -> memref<50xi32, #tpu.memory_space<vmem>>
    %dma_start3A_64 = arith.constant 0 : i32
    %dma_start3A_65 = arith.constant 0 : i32
    %dma_start3A_66 = tpu.memref_slice %arg3[%dma_start3A_64, %dma_start3A_65] : memref<1000000x64xf32, #tpu.memory_space<hbm>> -> memref<1000000x64xf32, #tpu.memory_space<hbm>>
    tpu.enqueue_indirect_dma source(%dma_start3A_66 : memref<1000000x64xf32, #tpu.memory_space<hbm>>) target(%dma_start3A_60 : memref<50x64xf32, #tpu.memory_space<vmem>>) offsets(%dma_start3A_63 : memref<50xi32, #tpu.memory_space<vmem>>) semaphore(%arg7 : memref<!tpu.dma_semaphore, #tpu.memory_space<semaphore_mem>>)
    %dma_start3A_67 = arith.constant 5 : i32
    %dma_start3A_68 = arith.constant 0 : i32
    %dma_start3A_69 = arith.constant 5 : i32
    %dma_start3A_70 = arith.constant 0 : i32
    %dma_start3A_71 = arith.constant 0 : i32
    %dma_start3A_72 = tpu.memref_slice %arg6[%dma_start3A_68, %dma_start3A_69, %dma_start3A_70, %dma_start3A_71] : memref<2x8x50x64xf32, #tpu.memory_space<vmem>> -> memref<1x1x50x64xf32, #tpu.memory_space<vmem>>
    %dma_start3A_73 = tpu.memref_squeeze %dma_start3A_72 : memref<1x1x50x64xf32, #tpu.memory_space<vmem>> -> memref<50x64xf32, #tpu.memory_space<vmem>>
    %dma_start3A_74 = arith.constant 0 : i32
    %dma_start3A_75 = tpu.memref_slice %arg5[%dma_start3A_67, %dma_start3A_74] : memref<512x50xi32, #tpu.memory_space<vmem>> -> memref<1x50xi32, #tpu.memory_space<vmem>>
    %dma_start3A_76 = tpu.memref_squeeze %dma_start3A_75 : memref<1x50xi32, #tpu.memory_space<vmem>> -> memref<50xi32, #tpu.memory_space<vmem>>
    %dma_start3A_77 = arith.constant 0 : i32
    %dma_start3A_78 = arith.constant 0 : i32
    %dma_start3A_79 = tpu.memref_slice %arg3[%dma_start3A_77, %dma_start3A_78] : memref<1000000x64xf32, #tpu.memory_space<hbm>> -> memref<1000000x64xf32, #tpu.memory_space<hbm>>
    tpu.enqueue_indirect_dma source(%dma_start3A_79 : memref<1000000x64xf32, #tpu.memory_space<hbm>>) target(%dma_start3A_73 : memref<50x64xf32, #tpu.memory_space<vmem>>) offsets(%dma_start3A_76 : memref<50xi32, #tpu.memory_space<vmem>>) semaphore(%arg7 : memref<!tpu.dma_semaphore, #tpu.memory_space<semaphore_mem>>)
    %dma_start3A_80 = arith.constant 6 : i32
    %dma_start3A_81 = arith.constant 0 : i32
    %dma_start3A_82 = arith.constant 6 : i32
    %dma_start3A_83 = arith.constant 0 : i32
    %dma_start3A_84 = arith.constant 0 : i32
    %dma_start3A_85 = tpu.memref_slice %arg6[%dma_start3A_81, %dma_start3A_82, %dma_start3A_83, %dma_start3A_84] : memref<2x8x50x64xf32, #tpu.memory_space<vmem>> -> memref<1x1x50x64xf32, #tpu.memory_space<vmem>>
    %dma_start3A_86 = tpu.memref_squeeze %dma_start3A_85 : memref<1x1x50x64xf32, #tpu.memory_space<vmem>> -> memref<50x64xf32, #tpu.memory_space<vmem>>
    %dma_start3A_87 = arith.constant 0 : i32
    %dma_start3A_88 = tpu.memref_slice %arg5[%dma_start3A_80, %dma_start3A_87] : memref<512x50xi32, #tpu.memory_space<vmem>> -> memref<1x50xi32, #tpu.memory_space<vmem>>
    %dma_start3A_89 = tpu.memref_squeeze %dma_start3A_88 : memref<1x50xi32, #tpu.memory_space<vmem>> -> memref<50xi32, #tpu.memory_space<vmem>>
    %dma_start3A_90 = arith.constant 0 : i32
    %dma_start3A_91 = arith.constant 0 : i32
    %dma_start3A_92 = tpu.memref_slice %arg3[%dma_start3A_90, %dma_start3A_91] : memref<1000000x64xf32, #tpu.memory_space<hbm>> -> memref<1000000x64xf32, #tpu.memory_space<hbm>>
    tpu.enqueue_indirect_dma source(%dma_start3A_92 : memref<1000000x64xf32, #tpu.memory_space<hbm>>) target(%dma_start3A_86 : memref<50x64xf32, #tpu.memory_space<vmem>>) offsets(%dma_start3A_89 : memref<50xi32, #tpu.memory_space<vmem>>) semaphore(%arg7 : memref<!tpu.dma_semaphore, #tpu.memory_space<semaphore_mem>>)
    %dma_start3A_93 = arith.constant 7 : i32
    %dma_start3A_94 = arith.constant 0 : i32
    %dma_start3A_95 = arith.constant 7 : i32
    %dma_start3A_96 = arith.constant 0 : i32
    %dma_start3A_97 = arith.constant 0 : i32
    %dma_start3A_98 = tpu.memref_slice %arg6[%dma_start3A_94, %dma_start3A_95, %dma_start3A_96, %dma_start3A_97] : memref<2x8x50x64xf32, #tpu.memory_space<vmem>> -> memref<1x1x50x64xf32, #tpu.memory_space<vmem>>
    %dma_start3A_99 = tpu.memref_squeeze %dma_start3A_98 : memref<1x1x50x64xf32, #tpu.memory_space<vmem>> -> memref<50x64xf32, #tpu.memory_space<vmem>>
    %dma_start3A_100 = arith.constant 0 : i32
    %dma_start3A_101 = tpu.memref_slice %arg5[%dma_start3A_93, %dma_start3A_100] : memref<512x50xi32, #tpu.memory_space<vmem>> -> memref<1x50xi32, #tpu.memory_space<vmem>>
    %dma_start3A_102 = tpu.memref_squeeze %dma_start3A_101 : memref<1x50xi32, #tpu.memory_space<vmem>> -> memref<50xi32, #tpu.memory_space<vmem>>
    %dma_start3A_103 = arith.constant 0 : i32
    %dma_start3A_104 = arith.constant 0 : i32
    %dma_start3A_105 = tpu.memref_slice %arg3[%dma_start3A_103, %dma_start3A_104] : memref<1000000x64xf32, #tpu.memory_space<hbm>> -> memref<1000000x64xf32, #tpu.memory_space<hbm>>
    tpu.enqueue_indirect_dma source(%dma_start3A_105 : memref<1000000x64xf32, #tpu.memory_space<hbm>>) target(%dma_start3A_99 : memref<50x64xf32, #tpu.memory_space<vmem>>) offsets(%dma_start3A_102 : memref<50xi32, #tpu.memory_space<vmem>>) semaphore(%arg7 : memref<!tpu.dma_semaphore, #tpu.memory_space<semaphore_mem>>)
    %scan3A = arith.constant 0 : i32
    %scan3A_106 = arith.constant 0 : i32
    %scan3A_107 = arith.constant 32 : i32
    %scan3A_108 = arith.addi %scan3A_106, %scan3A_107 : i32
    %scan3A_109 = arith.constant 1 : i32
    scf.for %scan3A_111 = %scan3A_106 to %scan3A_108 step %scan3A_109  : i32 {
      %mul3A_112 = arith.constant 2 : i32
      %mul3A_113 = arith.muli %mul3A_112, %scan3A_111 : i32
      %add3A_114 = arith.constant 0 : i32
      %add3A_115 = arith.addi %mul3A_113, %add3A_114 : i32
      %add3A_116 = arith.constant 1 : i32
      %add3A_117 = arith.addi %add3A_115, %add3A_116 : i32
      %lt3A = arith.constant 64 : i32
      %lt3A_118 = arith.cmpi slt, %add3A_117, %lt3A : i32
      %convert_element_type3A = arith.extui %lt3A_118 : i1 to i32
      %cond3A = arith.constant 0 : i32
      %cond3A_119 = arith.cmpi ne, %convert_element_type3A, %cond3A : i32
      scf.if %cond3A_119 {
        %add3A_393 = arith.constant 1 : i32
        %add3A_394 = arith.addi %add3A_115, %add3A_393 : i32
        %mul3A_395 = arith.constant 8 : i32
        %mul3A_396 = arith.muli %add3A_394, %mul3A_395 : i32
        %add3A_397 = arith.constant 0 : i32
        %add3A_398 = arith.addi %mul3A_396, %add3A_397 : i32
        %dma_start3A_399 = arith.constant 1 : i32
        %dma_start3A_400 = arith.constant 0 : i32
        %dma_start3A_401 = arith.constant 0 : i32
        %dma_start3A_402 = arith.constant 0 : i32
        %dma_start3A_403 = tpu.memref_slice %arg6[%dma_start3A_399, %dma_start3A_400, %dma_start3A_401, %dma_start3A_402] : memref<2x8x50x64xf32, #tpu.memory_space<vmem>> -> memref<1x1x50x64xf32, #tpu.memory_space<vmem>>
        %dma_start3A_404 = tpu.memref_squeeze %dma_start3A_403 : memref<1x1x50x64xf32, #tpu.memory_space<vmem>> -> memref<50x64xf32, #tpu.memory_space<vmem>>
        %dma_start3A_405 = arith.constant 0 : i32
        %dma_start3A_406 = tpu.memref_slice %arg5[%add3A_398, %dma_start3A_405] : memref<512x50xi32, #tpu.memory_space<vmem>> -> memref<1x50xi32, #tpu.memory_space<vmem>>
        %dma_start3A_407 = tpu.memref_squeeze %dma_start3A_406 : memref<1x50xi32, #tpu.memory_space<vmem>> -> memref<50xi32, #tpu.memory_space<vmem>>
        %dma_start3A_408 = arith.constant 0 : i32
        %dma_start3A_409 = arith.constant 0 : i32
        %dma_start3A_410 = tpu.memref_slice %arg3[%dma_start3A_408, %dma_start3A_409] : memref<1000000x64xf32, #tpu.memory_space<hbm>> -> memref<1000000x64xf32, #tpu.memory_space<hbm>>
        tpu.enqueue_indirect_dma source(%dma_start3A_410 : memref<1000000x64xf32, #tpu.memory_space<hbm>>) target(%dma_start3A_404 : memref<50x64xf32, #tpu.memory_space<vmem>>) offsets(%dma_start3A_407 : memref<50xi32, #tpu.memory_space<vmem>>) semaphore(%arg8 : memref<!tpu.dma_semaphore, #tpu.memory_space<semaphore_mem>>)
        %mul3A_411 = arith.constant 8 : i32
        %mul3A_412 = arith.muli %add3A_394, %mul3A_411 : i32
        %add3A_413 = arith.constant 1 : i32
        %add3A_414 = arith.addi %mul3A_412, %add3A_413 : i32
        %dma_start3A_415 = arith.constant 1 : i32
        %dma_start3A_416 = arith.constant 1 : i32
        %dma_start3A_417 = arith.constant 0 : i32
        %dma_start3A_418 = arith.constant 0 : i32
        %dma_start3A_419 = tpu.memref_slice %arg6[%dma_start3A_415, %dma_start3A_416, %dma_start3A_417, %dma_start3A_418] : memref<2x8x50x64xf32, #tpu.memory_space<vmem>> -> memref<1x1x50x64xf32, #tpu.memory_space<vmem>>
        %dma_start3A_420 = tpu.memref_squeeze %dma_start3A_419 : memref<1x1x50x64xf32, #tpu.memory_space<vmem>> -> memref<50x64xf32, #tpu.memory_space<vmem>>
        %dma_start3A_421 = arith.constant 0 : i32
        %dma_start3A_422 = tpu.memref_slice %arg5[%add3A_414, %dma_start3A_421] : memref<512x50xi32, #tpu.memory_space<vmem>> -> memref<1x50xi32, #tpu.memory_space<vmem>>
        %dma_start3A_423 = tpu.memref_squeeze %dma_start3A_422 : memref<1x50xi32, #tpu.memory_space<vmem>> -> memref<50xi32, #tpu.memory_space<vmem>>
        %dma_start3A_424 = arith.constant 0 : i32
        %dma_start3A_425 = arith.constant 0 : i32
        %dma_start3A_426 = tpu.memref_slice %arg3[%dma_start3A_424, %dma_start3A_425] : memref<1000000x64xf32, #tpu.memory_space<hbm>> -> memref<1000000x64xf32, #tpu.memory_space<hbm>>
        tpu.enqueue_indirect_dma source(%dma_start3A_426 : memref<1000000x64xf32, #tpu.memory_space<hbm>>) target(%dma_start3A_420 : memref<50x64xf32, #tpu.memory_space<vmem>>) offsets(%dma_start3A_423 : memref<50xi32, #tpu.memory_space<vmem>>) semaphore(%arg8 : memref<!tpu.dma_semaphore, #tpu.memory_space<semaphore_mem>>)
        %mul3A_427 = arith.constant 8 : i32
        %mul3A_428 = arith.muli %add3A_394, %mul3A_427 : i32
        %add3A_429 = arith.constant 2 : i32
        %add3A_430 = arith.addi %mul3A_428, %add3A_429 : i32
        %dma_start3A_431 = arith.constant 1 : i32
        %dma_start3A_432 = arith.constant 2 : i32
        %dma_start3A_433 = arith.constant 0 : i32
        %dma_start3A_434 = arith.constant 0 : i32
        %dma_start3A_435 = tpu.memref_slice %arg6[%dma_start3A_431, %dma_start3A_432, %dma_start3A_433, %dma_start3A_434] : memref<2x8x50x64xf32, #tpu.memory_space<vmem>> -> memref<1x1x50x64xf32, #tpu.memory_space<vmem>>
        %dma_start3A_436 = tpu.memref_squeeze %dma_start3A_435 : memref<1x1x50x64xf32, #tpu.memory_space<vmem>> -> memref<50x64xf32, #tpu.memory_space<vmem>>
        %dma_start3A_437 = arith.constant 0 : i32
        %dma_start3A_438 = tpu.memref_slice %arg5[%add3A_430, %dma_start3A_437] : memref<512x50xi32, #tpu.memory_space<vmem>> -> memref<1x50xi32, #tpu.memory_space<vmem>>
        %dma_start3A_439 = tpu.memref_squeeze %dma_start3A_438 : memref<1x50xi32, #tpu.memory_space<vmem>> -> memref<50xi32, #tpu.memory_space<vmem>>
        %dma_start3A_440 = arith.constant 0 : i32
        %dma_start3A_441 = arith.constant 0 : i32
        %dma_start3A_442 = tpu.memref_slice %arg3[%dma_start3A_440, %dma_start3A_441] : memref<1000000x64xf32, #tpu.memory_space<hbm>> -> memref<1000000x64xf32, #tpu.memory_space<hbm>>
        tpu.enqueue_indirect_dma source(%dma_start3A_442 : memref<1000000x64xf32, #tpu.memory_space<hbm>>) target(%dma_start3A_436 : memref<50x64xf32, #tpu.memory_space<vmem>>) offsets(%dma_start3A_439 : memref<50xi32, #tpu.memory_space<vmem>>) semaphore(%arg8 : memref<!tpu.dma_semaphore, #tpu.memory_space<semaphore_mem>>)
        %mul3A_443 = arith.constant 8 : i32
        %mul3A_444 = arith.muli %add3A_394, %mul3A_443 : i32
        %add3A_445 = arith.constant 3 : i32
        %add3A_446 = arith.addi %mul3A_444, %add3A_445 : i32
        %dma_start3A_447 = arith.constant 1 : i32
        %dma_start3A_448 = arith.constant 3 : i32
        %dma_start3A_449 = arith.constant 0 : i32
        %dma_start3A_450 = arith.constant 0 : i32
        %dma_start3A_451 = tpu.memref_slice %arg6[%dma_start3A_447, %dma_start3A_448, %dma_start3A_449, %dma_start3A_450] : memref<2x8x50x64xf32, #tpu.memory_space<vmem>> -> memref<1x1x50x64xf32, #tpu.memory_space<vmem>>
        %dma_start3A_452 = tpu.memref_squeeze %dma_start3A_451 : memref<1x1x50x64xf32, #tpu.memory_space<vmem>> -> memref<50x64xf32, #tpu.memory_space<vmem>>
        %dma_start3A_453 = arith.constant 0 : i32
        %dma_start3A_454 = tpu.memref_slice %arg5[%add3A_446, %dma_start3A_453] : memref<512x50xi32, #tpu.memory_space<vmem>> -> memref<1x50xi32, #tpu.memory_space<vmem>>
        %dma_start3A_455 = tpu.memref_squeeze %dma_start3A_454 : memref<1x50xi32, #tpu.memory_space<vmem>> -> memref<50xi32, #tpu.memory_space<vmem>>
        %dma_start3A_456 = arith.constant 0 : i32
        %dma_start3A_457 = arith.constant 0 : i32
        %dma_start3A_458 = tpu.memref_slice %arg3[%dma_start3A_456, %dma_start3A_457] : memref<1000000x64xf32, #tpu.memory_space<hbm>> -> memref<1000000x64xf32, #tpu.memory_space<hbm>>
        tpu.enqueue_indirect_dma source(%dma_start3A_458 : memref<1000000x64xf32, #tpu.memory_space<hbm>>) target(%dma_start3A_452 : memref<50x64xf32, #tpu.memory_space<vmem>>) offsets(%dma_start3A_455 : memref<50xi32, #tpu.memory_space<vmem>>) semaphore(%arg8 : memref<!tpu.dma_semaphore, #tpu.memory_space<semaphore_mem>>)
        %mul3A_459 = arith.constant 8 : i32
        %mul3A_460 = arith.muli %add3A_394, %mul3A_459 : i32
        %add3A_461 = arith.constant 4 : i32
        %add3A_462 = arith.addi %mul3A_460, %add3A_461 : i32
        %dma_start3A_463 = arith.constant 1 : i32
        %dma_start3A_464 = arith.constant 4 : i32
        %dma_start3A_465 = arith.constant 0 : i32
        %dma_start3A_466 = arith.constant 0 : i32
        %dma_start3A_467 = tpu.memref_slice %arg6[%dma_start3A_463, %dma_start3A_464, %dma_start3A_465, %dma_start3A_466] : memref<2x8x50x64xf32, #tpu.memory_space<vmem>> -> memref<1x1x50x64xf32, #tpu.memory_space<vmem>>
        %dma_start3A_468 = tpu.memref_squeeze %dma_start3A_467 : memref<1x1x50x64xf32, #tpu.memory_space<vmem>> -> memref<50x64xf32, #tpu.memory_space<vmem>>
        %dma_start3A_469 = arith.constant 0 : i32
        %dma_start3A_470 = tpu.memref_slice %arg5[%add3A_462, %dma_start3A_469] : memref<512x50xi32, #tpu.memory_space<vmem>> -> memref<1x50xi32, #tpu.memory_space<vmem>>
        %dma_start3A_471 = tpu.memref_squeeze %dma_start3A_470 : memref<1x50xi32, #tpu.memory_space<vmem>> -> memref<50xi32, #tpu.memory_space<vmem>>
        %dma_start3A_472 = arith.constant 0 : i32
        %dma_start3A_473 = arith.constant 0 : i32
        %dma_start3A_474 = tpu.memref_slice %arg3[%dma_start3A_472, %dma_start3A_473] : memref<1000000x64xf32, #tpu.memory_space<hbm>> -> memref<1000000x64xf32, #tpu.memory_space<hbm>>
        tpu.enqueue_indirect_dma source(%dma_start3A_474 : memref<1000000x64xf32, #tpu.memory_space<hbm>>) target(%dma_start3A_468 : memref<50x64xf32, #tpu.memory_space<vmem>>) offsets(%dma_start3A_471 : memref<50xi32, #tpu.memory_space<vmem>>) semaphore(%arg8 : memref<!tpu.dma_semaphore, #tpu.memory_space<semaphore_mem>>)
        %mul3A_475 = arith.constant 8 : i32
        %mul3A_476 = arith.muli %add3A_394, %mul3A_475 : i32
        %add3A_477 = arith.constant 5 : i32
        %add3A_478 = arith.addi %mul3A_476, %add3A_477 : i32
        %dma_start3A_479 = arith.constant 1 : i32
        %dma_start3A_480 = arith.constant 5 : i32
        %dma_start3A_481 = arith.constant 0 : i32
        %dma_start3A_482 = arith.constant 0 : i32
        %dma_start3A_483 = tpu.memref_slice %arg6[%dma_start3A_479, %dma_start3A_480, %dma_start3A_481, %dma_start3A_482] : memref<2x8x50x64xf32, #tpu.memory_space<vmem>> -> memref<1x1x50x64xf32, #tpu.memory_space<vmem>>
        %dma_start3A_484 = tpu.memref_squeeze %dma_start3A_483 : memref<1x1x50x64xf32, #tpu.memory_space<vmem>> -> memref<50x64xf32, #tpu.memory_space<vmem>>
        %dma_start3A_485 = arith.constant 0 : i32
        %dma_start3A_486 = tpu.memref_slice %arg5[%add3A_478, %dma_start3A_485] : memref<512x50xi32, #tpu.memory_space<vmem>> -> memref<1x50xi32, #tpu.memory_space<vmem>>
        %dma_start3A_487 = tpu.memref_squeeze %dma_start3A_486 : memref<1x50xi32, #tpu.memory_space<vmem>> -> memref<50xi32, #tpu.memory_space<vmem>>
        %dma_start3A_488 = arith.constant 0 : i32
        %dma_start3A_489 = arith.constant 0 : i32
        %dma_start3A_490 = tpu.memref_slice %arg3[%dma_start3A_488, %dma_start3A_489] : memref<1000000x64xf32, #tpu.memory_space<hbm>> -> memref<1000000x64xf32, #tpu.memory_space<hbm>>
        tpu.enqueue_indirect_dma source(%dma_start3A_490 : memref<1000000x64xf32, #tpu.memory_space<hbm>>) target(%dma_start3A_484 : memref<50x64xf32, #tpu.memory_space<vmem>>) offsets(%dma_start3A_487 : memref<50xi32, #tpu.memory_space<vmem>>) semaphore(%arg8 : memref<!tpu.dma_semaphore, #tpu.memory_space<semaphore_mem>>)
        %mul3A_491 = arith.constant 8 : i32
        %mul3A_492 = arith.muli %add3A_394, %mul3A_491 : i32
        %add3A_493 = arith.constant 6 : i32
        %add3A_494 = arith.addi %mul3A_492, %add3A_493 : i32
        %dma_start3A_495 = arith.constant 1 : i32
        %dma_start3A_496 = arith.constant 6 : i32
        %dma_start3A_497 = arith.constant 0 : i32
        %dma_start3A_498 = arith.constant 0 : i32
        %dma_start3A_499 = tpu.memref_slice %arg6[%dma_start3A_495, %dma_start3A_496, %dma_start3A_497, %dma_start3A_498] : memref<2x8x50x64xf32, #tpu.memory_space<vmem>> -> memref<1x1x50x64xf32, #tpu.memory_space<vmem>>
        %dma_start3A_500 = tpu.memref_squeeze %dma_start3A_499 : memref<1x1x50x64xf32, #tpu.memory_space<vmem>> -> memref<50x64xf32, #tpu.memory_space<vmem>>
        %dma_start3A_501 = arith.constant 0 : i32
        %dma_start3A_502 = tpu.memref_slice %arg5[%add3A_494, %dma_start3A_501] : memref<512x50xi32, #tpu.memory_space<vmem>> -> memref<1x50xi32, #tpu.memory_space<vmem>>
        %dma_start3A_503 = tpu.memref_squeeze %dma_start3A_502 : memref<1x50xi32, #tpu.memory_space<vmem>> -> memref<50xi32, #tpu.memory_space<vmem>>
        %dma_start3A_504 = arith.constant 0 : i32
        %dma_start3A_505 = arith.constant 0 : i32
        %dma_start3A_506 = tpu.memref_slice %arg3[%dma_start3A_504, %dma_start3A_505] : memref<1000000x64xf32, #tpu.memory_space<hbm>> -> memref<1000000x64xf32, #tpu.memory_space<hbm>>
        tpu.enqueue_indirect_dma source(%dma_start3A_506 : memref<1000000x64xf32, #tpu.memory_space<hbm>>) target(%dma_start3A_500 : memref<50x64xf32, #tpu.memory_space<vmem>>) offsets(%dma_start3A_503 : memref<50xi32, #tpu.memory_space<vmem>>) semaphore(%arg8 : memref<!tpu.dma_semaphore, #tpu.memory_space<semaphore_mem>>)
        %mul3A_507 = arith.constant 8 : i32
        %mul3A_508 = arith.muli %add3A_394, %mul3A_507 : i32
        %add3A_509 = arith.constant 7 : i32
        %add3A_510 = arith.addi %mul3A_508, %add3A_509 : i32
        %dma_start3A_511 = arith.constant 1 : i32
        %dma_start3A_512 = arith.constant 7 : i32
        %dma_start3A_513 = arith.constant 0 : i32
        %dma_start3A_514 = arith.constant 0 : i32
        %dma_start3A_515 = tpu.memref_slice %arg6[%dma_start3A_511, %dma_start3A_512, %dma_start3A_513, %dma_start3A_514] : memref<2x8x50x64xf32, #tpu.memory_space<vmem>> -> memref<1x1x50x64xf32, #tpu.memory_space<vmem>>
        %dma_start3A_516 = tpu.memref_squeeze %dma_start3A_515 : memref<1x1x50x64xf32, #tpu.memory_space<vmem>> -> memref<50x64xf32, #tpu.memory_space<vmem>>
        %dma_start3A_517 = arith.constant 0 : i32
        %dma_start3A_518 = tpu.memref_slice %arg5[%add3A_510, %dma_start3A_517] : memref<512x50xi32, #tpu.memory_space<vmem>> -> memref<1x50xi32, #tpu.memory_space<vmem>>
        %dma_start3A_519 = tpu.memref_squeeze %dma_start3A_518 : memref<1x50xi32, #tpu.memory_space<vmem>> -> memref<50xi32, #tpu.memory_space<vmem>>
        %dma_start3A_520 = arith.constant 0 : i32
        %dma_start3A_521 = arith.constant 0 : i32
        %dma_start3A_522 = tpu.memref_slice %arg3[%dma_start3A_520, %dma_start3A_521] : memref<1000000x64xf32, #tpu.memory_space<hbm>> -> memref<1000000x64xf32, #tpu.memory_space<hbm>>
        tpu.enqueue_indirect_dma source(%dma_start3A_522 : memref<1000000x64xf32, #tpu.memory_space<hbm>>) target(%dma_start3A_516 : memref<50x64xf32, #tpu.memory_space<vmem>>) offsets(%dma_start3A_519 : memref<50xi32, #tpu.memory_space<vmem>>) semaphore(%arg8 : memref<!tpu.dma_semaphore, #tpu.memory_space<semaphore_mem>>)
      } else {
      }
      %dma_wait3A = arith.constant 0 : i32
      %dma_wait3A_120 = arith.constant 0 : i32
      %dma_wait3A_121 = arith.constant 0 : i32
      %dma_wait3A_122 = arith.constant 0 : i32
      %dma_wait3A_123 = tpu.memref_slice %arg6[%dma_wait3A, %dma_wait3A_120, %dma_wait3A_121, %dma_wait3A_122] : memref<2x8x50x64xf32, #tpu.memory_space<vmem>> -> memref<1x1x50x64xf32, #tpu.memory_space<vmem>>
      %dma_wait3A_124 = tpu.memref_squeeze %dma_wait3A_123 : memref<1x1x50x64xf32, #tpu.memory_space<vmem>> -> memref<50x64xf32, #tpu.memory_space<vmem>>
      %dma_wait3A_125 = arith.constant 0 : i32
      %dma_wait3A_126 = arith.constant 0 : i32
      %dma_wait3A_127 = tpu.memref_slice %arg3[%dma_wait3A_125, %dma_wait3A_126] : memref<1000000x64xf32, #tpu.memory_space<hbm>> -> memref<50x64xf32, #tpu.memory_space<hbm>>
      %dma_wait3A_128 = arith.constant 0 : i32
      %dma_wait3A_129 = arith.constant 0 : i32
      %dma_wait3A_130 = tpu.memref_slice %arg6[%dma_wait3A, %dma_wait3A_120, %dma_wait3A_128, %dma_wait3A_129] : memref<2x8x50x64xf32, #tpu.memory_space<vmem>> -> memref<1x1x50x64xf32, #tpu.memory_space<vmem>>
      %dma_wait3A_131 = tpu.memref_squeeze %dma_wait3A_130 : memref<1x1x50x64xf32, #tpu.memory_space<vmem>> -> memref<50x64xf32, #tpu.memory_space<vmem>>
      %dma_wait3A_132 = arith.constant 0 : i32
      %dma_wait3A_133 = arith.constant 0 : i32
      %dma_wait3A_134 = tpu.memref_slice %arg3[%dma_wait3A_132, %dma_wait3A_133] : memref<1000000x64xf32, #tpu.memory_space<hbm>> -> memref<50x64xf32, #tpu.memory_space<hbm>>
      tpu.wait_dma2 semaphore(%arg7 : memref<!tpu.dma_semaphore, #tpu.memory_space<semaphore_mem>>) src(%dma_wait3A_134 : memref<50x64xf32, #tpu.memory_space<hbm>>) dst(%dma_wait3A_131 : memref<50x64xf32, #tpu.memory_space<vmem>>)
      %dma_wait3A_135 = arith.constant 0 : i32
      %dma_wait3A_136 = arith.constant 1 : i32
      %dma_wait3A_137 = arith.constant 0 : i32
      %dma_wait3A_138 = arith.constant 0 : i32
      %dma_wait3A_139 = tpu.memref_slice %arg6[%dma_wait3A_135, %dma_wait3A_136, %dma_wait3A_137, %dma_wait3A_138] : memref<2x8x50x64xf32, #tpu.memory_space<vmem>> -> memref<1x1x50x64xf32, #tpu.memory_space<vmem>>
      %dma_wait3A_140 = tpu.memref_squeeze %dma_wait3A_139 : memref<1x1x50x64xf32, #tpu.memory_space<vmem>> -> memref<50x64xf32, #tpu.memory_space<vmem>>
      %dma_wait3A_141 = arith.constant 0 : i32
      %dma_wait3A_142 = arith.constant 0 : i32
      %dma_wait3A_143 = tpu.memref_slice %arg3[%dma_wait3A_141, %dma_wait3A_142] : memref<1000000x64xf32, #tpu.memory_space<hbm>> -> memref<50x64xf32, #tpu.memory_space<hbm>>
      %dma_wait3A_144 = arith.constant 0 : i32
      %dma_wait3A_145 = arith.constant 0 : i32
      %dma_wait3A_146 = tpu.memref_slice %arg6[%dma_wait3A_135, %dma_wait3A_136, %dma_wait3A_144, %dma_wait3A_145] : memref<2x8x50x64xf32, #tpu.memory_space<vmem>> -> memref<1x1x50x64xf32, #tpu.memory_space<vmem>>
      %dma_wait3A_147 = tpu.memref_squeeze %dma_wait3A_146 : memref<1x1x50x64xf32, #tpu.memory_space<vmem>> -> memref<50x64xf32, #tpu.memory_space<vmem>>
      %dma_wait3A_148 = arith.constant 0 : i32
      %dma_wait3A_149 = arith.constant 0 : i32
      %dma_wait3A_150 = tpu.memref_slice %arg3[%dma_wait3A_148, %dma_wait3A_149] : memref<1000000x64xf32, #tpu.memory_space<hbm>> -> memref<50x64xf32, #tpu.memory_space<hbm>>
      tpu.wait_dma2 semaphore(%arg7 : memref<!tpu.dma_semaphore, #tpu.memory_space<semaphore_mem>>) src(%dma_wait3A_150 : memref<50x64xf32, #tpu.memory_space<hbm>>) dst(%dma_wait3A_147 : memref<50x64xf32, #tpu.memory_space<vmem>>)
      %dma_wait3A_151 = arith.constant 0 : i32
      %dma_wait3A_152 = arith.constant 2 : i32
      %dma_wait3A_153 = arith.constant 0 : i32
      %dma_wait3A_154 = arith.constant 0 : i32
      %dma_wait3A_155 = tpu.memref_slice %arg6[%dma_wait3A_151, %dma_wait3A_152, %dma_wait3A_153, %dma_wait3A_154] : memref<2x8x50x64xf32, #tpu.memory_space<vmem>> -> memref<1x1x50x64xf32, #tpu.memory_space<vmem>>
      %dma_wait3A_156 = tpu.memref_squeeze %dma_wait3A_155 : memref<1x1x50x64xf32, #tpu.memory_space<vmem>> -> memref<50x64xf32, #tpu.memory_space<vmem>>
      %dma_wait3A_157 = arith.constant 0 : i32
      %dma_wait3A_158 = arith.constant 0 : i32
      %dma_wait3A_159 = tpu.memref_slice %arg3[%dma_wait3A_157, %dma_wait3A_158] : memref<1000000x64xf32, #tpu.memory_space<hbm>> -> memref<50x64xf32, #tpu.memory_space<hbm>>
      %dma_wait3A_160 = arith.constant 0 : i32
      %dma_wait3A_161 = arith.constant 0 : i32
      %dma_wait3A_162 = tpu.memref_slice %arg6[%dma_wait3A_151, %dma_wait3A_152, %dma_wait3A_160, %dma_wait3A_161] : memref<2x8x50x64xf32, #tpu.memory_space<vmem>> -> memref<1x1x50x64xf32, #tpu.memory_space<vmem>>
      %dma_wait3A_163 = tpu.memref_squeeze %dma_wait3A_162 : memref<1x1x50x64xf32, #tpu.memory_space<vmem>> -> memref<50x64xf32, #tpu.memory_space<vmem>>
      %dma_wait3A_164 = arith.constant 0 : i32
      %dma_wait3A_165 = arith.constant 0 : i32
      %dma_wait3A_166 = tpu.memref_slice %arg3[%dma_wait3A_164, %dma_wait3A_165] : memref<1000000x64xf32, #tpu.memory_space<hbm>> -> memref<50x64xf32, #tpu.memory_space<hbm>>
      tpu.wait_dma2 semaphore(%arg7 : memref<!tpu.dma_semaphore, #tpu.memory_space<semaphore_mem>>) src(%dma_wait3A_166 : memref<50x64xf32, #tpu.memory_space<hbm>>) dst(%dma_wait3A_163 : memref<50x64xf32, #tpu.memory_space<vmem>>)
      %dma_wait3A_167 = arith.constant 0 : i32
      %dma_wait3A_168 = arith.constant 3 : i32
      %dma_wait3A_169 = arith.constant 0 : i32
      %dma_wait3A_170 = arith.constant 0 : i32
      %dma_wait3A_171 = tpu.memref_slice %arg6[%dma_wait3A_167, %dma_wait3A_168, %dma_wait3A_169, %dma_wait3A_170] : memref<2x8x50x64xf32, #tpu.memory_space<vmem>> -> memref<1x1x50x64xf32, #tpu.memory_space<vmem>>
      %dma_wait3A_172 = tpu.memref_squeeze %dma_wait3A_171 : memref<1x1x50x64xf32, #tpu.memory_space<vmem>> -> memref<50x64xf32, #tpu.memory_space<vmem>>
      %dma_wait3A_173 = arith.constant 0 : i32
      %dma_wait3A_174 = arith.constant 0 : i32
      %dma_wait3A_175 = tpu.memref_slice %arg3[%dma_wait3A_173, %dma_wait3A_174] : memref<1000000x64xf32, #tpu.memory_space<hbm>> -> memref<50x64xf32, #tpu.memory_space<hbm>>
      %dma_wait3A_176 = arith.constant 0 : i32
      %dma_wait3A_177 = arith.constant 0 : i32
      %dma_wait3A_178 = tpu.memref_slice %arg6[%dma_wait3A_167, %dma_wait3A_168, %dma_wait3A_176, %dma_wait3A_177] : memref<2x8x50x64xf32, #tpu.memory_space<vmem>> -> memref<1x1x50x64xf32, #tpu.memory_space<vmem>>
      %dma_wait3A_179 = tpu.memref_squeeze %dma_wait3A_178 : memref<1x1x50x64xf32, #tpu.memory_space<vmem>> -> memref<50x64xf32, #tpu.memory_space<vmem>>
      %dma_wait3A_180 = arith.constant 0 : i32
      %dma_wait3A_181 = arith.constant 0 : i32
      %dma_wait3A_182 = tpu.memref_slice %arg3[%dma_wait3A_180, %dma_wait3A_181] : memref<1000000x64xf32, #tpu.memory_space<hbm>> -> memref<50x64xf32, #tpu.memory_space<hbm>>
      tpu.wait_dma2 semaphore(%arg7 : memref<!tpu.dma_semaphore, #tpu.memory_space<semaphore_mem>>) src(%dma_wait3A_182 : memref<50x64xf32, #tpu.memory_space<hbm>>) dst(%dma_wait3A_179 : memref<50x64xf32, #tpu.memory_space<vmem>>)
      %dma_wait3A_183 = arith.constant 0 : i32
      %dma_wait3A_184 = arith.constant 4 : i32
      %dma_wait3A_185 = arith.constant 0 : i32
      %dma_wait3A_186 = arith.constant 0 : i32
      %dma_wait3A_187 = tpu.memref_slice %arg6[%dma_wait3A_183, %dma_wait3A_184, %dma_wait3A_185, %dma_wait3A_186] : memref<2x8x50x64xf32, #tpu.memory_space<vmem>> -> memref<1x1x50x64xf32, #tpu.memory_space<vmem>>
      %dma_wait3A_188 = tpu.memref_squeeze %dma_wait3A_187 : memref<1x1x50x64xf32, #tpu.memory_space<vmem>> -> memref<50x64xf32, #tpu.memory_space<vmem>>
      %dma_wait3A_189 = arith.constant 0 : i32
      %dma_wait3A_190 = arith.constant 0 : i32
      %dma_wait3A_191 = tpu.memref_slice %arg3[%dma_wait3A_189, %dma_wait3A_190] : memref<1000000x64xf32, #tpu.memory_space<hbm>> -> memref<50x64xf32, #tpu.memory_space<hbm>>
      %dma_wait3A_192 = arith.constant 0 : i32
      %dma_wait3A_193 = arith.constant 0 : i32
      %dma_wait3A_194 = tpu.memref_slice %arg6[%dma_wait3A_183, %dma_wait3A_184, %dma_wait3A_192, %dma_wait3A_193] : memref<2x8x50x64xf32, #tpu.memory_space<vmem>> -> memref<1x1x50x64xf32, #tpu.memory_space<vmem>>
      %dma_wait3A_195 = tpu.memref_squeeze %dma_wait3A_194 : memref<1x1x50x64xf32, #tpu.memory_space<vmem>> -> memref<50x64xf32, #tpu.memory_space<vmem>>
      %dma_wait3A_196 = arith.constant 0 : i32
      %dma_wait3A_197 = arith.constant 0 : i32
      %dma_wait3A_198 = tpu.memref_slice %arg3[%dma_wait3A_196, %dma_wait3A_197] : memref<1000000x64xf32, #tpu.memory_space<hbm>> -> memref<50x64xf32, #tpu.memory_space<hbm>>
      tpu.wait_dma2 semaphore(%arg7 : memref<!tpu.dma_semaphore, #tpu.memory_space<semaphore_mem>>) src(%dma_wait3A_198 : memref<50x64xf32, #tpu.memory_space<hbm>>) dst(%dma_wait3A_195 : memref<50x64xf32, #tpu.memory_space<vmem>>)
      %dma_wait3A_199 = arith.constant 0 : i32
      %dma_wait3A_200 = arith.constant 5 : i32
      %dma_wait3A_201 = arith.constant 0 : i32
      %dma_wait3A_202 = arith.constant 0 : i32
      %dma_wait3A_203 = tpu.memref_slice %arg6[%dma_wait3A_199, %dma_wait3A_200, %dma_wait3A_201, %dma_wait3A_202] : memref<2x8x50x64xf32, #tpu.memory_space<vmem>> -> memref<1x1x50x64xf32, #tpu.memory_space<vmem>>
      %dma_wait3A_204 = tpu.memref_squeeze %dma_wait3A_203 : memref<1x1x50x64xf32, #tpu.memory_space<vmem>> -> memref<50x64xf32, #tpu.memory_space<vmem>>
      %dma_wait3A_205 = arith.constant 0 : i32
      %dma_wait3A_206 = arith.constant 0 : i32
      %dma_wait3A_207 = tpu.memref_slice %arg3[%dma_wait3A_205, %dma_wait3A_206] : memref<1000000x64xf32, #tpu.memory_space<hbm>> -> memref<50x64xf32, #tpu.memory_space<hbm>>
      %dma_wait3A_208 = arith.constant 0 : i32
      %dma_wait3A_209 = arith.constant 0 : i32
      %dma_wait3A_210 = tpu.memref_slice %arg6[%dma_wait3A_199, %dma_wait3A_200, %dma_wait3A_208, %dma_wait3A_209] : memref<2x8x50x64xf32, #tpu.memory_space<vmem>> -> memref<1x1x50x64xf32, #tpu.memory_space<vmem>>
      %dma_wait3A_211 = tpu.memref_squeeze %dma_wait3A_210 : memref<1x1x50x64xf32, #tpu.memory_space<vmem>> -> memref<50x64xf32, #tpu.memory_space<vmem>>
      %dma_wait3A_212 = arith.constant 0 : i32
      %dma_wait3A_213 = arith.constant 0 : i32
      %dma_wait3A_214 = tpu.memref_slice %arg3[%dma_wait3A_212, %dma_wait3A_213] : memref<1000000x64xf32, #tpu.memory_space<hbm>> -> memref<50x64xf32, #tpu.memory_space<hbm>>
      tpu.wait_dma2 semaphore(%arg7 : memref<!tpu.dma_semaphore, #tpu.memory_space<semaphore_mem>>) src(%dma_wait3A_214 : memref<50x64xf32, #tpu.memory_space<hbm>>) dst(%dma_wait3A_211 : memref<50x64xf32, #tpu.memory_space<vmem>>)
      %dma_wait3A_215 = arith.constant 0 : i32
      %dma_wait3A_216 = arith.constant 6 : i32
      %dma_wait3A_217 = arith.constant 0 : i32
      %dma_wait3A_218 = arith.constant 0 : i32
      %dma_wait3A_219 = tpu.memref_slice %arg6[%dma_wait3A_215, %dma_wait3A_216, %dma_wait3A_217, %dma_wait3A_218] : memref<2x8x50x64xf32, #tpu.memory_space<vmem>> -> memref<1x1x50x64xf32, #tpu.memory_space<vmem>>
      %dma_wait3A_220 = tpu.memref_squeeze %dma_wait3A_219 : memref<1x1x50x64xf32, #tpu.memory_space<vmem>> -> memref<50x64xf32, #tpu.memory_space<vmem>>
      %dma_wait3A_221 = arith.constant 0 : i32
      %dma_wait3A_222 = arith.constant 0 : i32
      %dma_wait3A_223 = tpu.memref_slice %arg3[%dma_wait3A_221, %dma_wait3A_222] : memref<1000000x64xf32, #tpu.memory_space<hbm>> -> memref<50x64xf32, #tpu.memory_space<hbm>>
      %dma_wait3A_224 = arith.constant 0 : i32
      %dma_wait3A_225 = arith.constant 0 : i32
      %dma_wait3A_226 = tpu.memref_slice %arg6[%dma_wait3A_215, %dma_wait3A_216, %dma_wait3A_224, %dma_wait3A_225] : memref<2x8x50x64xf32, #tpu.memory_space<vmem>> -> memref<1x1x50x64xf32, #tpu.memory_space<vmem>>
      %dma_wait3A_227 = tpu.memref_squeeze %dma_wait3A_226 : memref<1x1x50x64xf32, #tpu.memory_space<vmem>> -> memref<50x64xf32, #tpu.memory_space<vmem>>
      %dma_wait3A_228 = arith.constant 0 : i32
      %dma_wait3A_229 = arith.constant 0 : i32
      %dma_wait3A_230 = tpu.memref_slice %arg3[%dma_wait3A_228, %dma_wait3A_229] : memref<1000000x64xf32, #tpu.memory_space<hbm>> -> memref<50x64xf32, #tpu.memory_space<hbm>>
      tpu.wait_dma2 semaphore(%arg7 : memref<!tpu.dma_semaphore, #tpu.memory_space<semaphore_mem>>) src(%dma_wait3A_230 : memref<50x64xf32, #tpu.memory_space<hbm>>) dst(%dma_wait3A_227 : memref<50x64xf32, #tpu.memory_space<vmem>>)
      %dma_wait3A_231 = arith.constant 0 : i32
      %dma_wait3A_232 = arith.constant 7 : i32
      %dma_wait3A_233 = arith.constant 0 : i32
      %dma_wait3A_234 = arith.constant 0 : i32
      %dma_wait3A_235 = tpu.memref_slice %arg6[%dma_wait3A_231, %dma_wait3A_232, %dma_wait3A_233, %dma_wait3A_234] : memref<2x8x50x64xf32, #tpu.memory_space<vmem>> -> memref<1x1x50x64xf32, #tpu.memory_space<vmem>>
      %dma_wait3A_236 = tpu.memref_squeeze %dma_wait3A_235 : memref<1x1x50x64xf32, #tpu.memory_space<vmem>> -> memref<50x64xf32, #tpu.memory_space<vmem>>
      %dma_wait3A_237 = arith.constant 0 : i32
      %dma_wait3A_238 = arith.constant 0 : i32
      %dma_wait3A_239 = tpu.memref_slice %arg3[%dma_wait3A_237, %dma_wait3A_238] : memref<1000000x64xf32, #tpu.memory_space<hbm>> -> memref<50x64xf32, #tpu.memory_space<hbm>>
      %dma_wait3A_240 = arith.constant 0 : i32
      %dma_wait3A_241 = arith.constant 0 : i32
      %dma_wait3A_242 = tpu.memref_slice %arg6[%dma_wait3A_231, %dma_wait3A_232, %dma_wait3A_240, %dma_wait3A_241] : memref<2x8x50x64xf32, #tpu.memory_space<vmem>> -> memref<1x1x50x64xf32, #tpu.memory_space<vmem>>
      %dma_wait3A_243 = tpu.memref_squeeze %dma_wait3A_242 : memref<1x1x50x64xf32, #tpu.memory_space<vmem>> -> memref<50x64xf32, #tpu.memory_space<vmem>>
      %dma_wait3A_244 = arith.constant 0 : i32
      %dma_wait3A_245 = arith.constant 0 : i32
      %dma_wait3A_246 = tpu.memref_slice %arg3[%dma_wait3A_244, %dma_wait3A_245] : memref<1000000x64xf32, #tpu.memory_space<hbm>> -> memref<50x64xf32, #tpu.memory_space<hbm>>
      tpu.wait_dma2 semaphore(%arg7 : memref<!tpu.dma_semaphore, #tpu.memory_space<semaphore_mem>>) src(%dma_wait3A_246 : memref<50x64xf32, #tpu.memory_space<hbm>>) dst(%dma_wait3A_243 : memref<50x64xf32, #tpu.memory_space<vmem>>)
      %mul3A_247 = arith.constant 8 : i32
      %mul3A_248 = arith.muli %add3A_115, %mul3A_247 : i32
      %add3A_249 = arith.addi %mul3A_2, %mul3A_248 : i32
      %run_scoped3A = arith.constant 0 : i32
      "tpu.region"() ({
        %run_scoped3A_393 = tpu.sem_alloc : memref<!tpu.dma_semaphore, #tpu.memory_space<semaphore_mem>>
        %dma_start3A_394 = arith.constant 0 : i32
        %dma_start3A_395 = arith.constant 0 : i32
        %dma_start3A_396 = arith.constant 0 : i32
        %dma_start3A_397 = tpu.memref_slice %arg6[%run_scoped3A, %dma_start3A_394, %dma_start3A_395, %dma_start3A_396] : memref<2x8x50x64xf32, #tpu.memory_space<vmem>> -> memref<1x8x50x64xf32, #tpu.memory_space<vmem>>
        %dma_start3A_398 = tpu.memref_squeeze %dma_start3A_397 : memref<1x8x50x64xf32, #tpu.memory_space<vmem>> -> memref<8x50x64xf32, #tpu.memory_space<vmem>>
        %dma_start3A_399 = arith.constant 0 : i32
        %dma_start3A_400 = arith.constant 0 : i32
        %dma_start3A_401 = tpu.memref_slice %arg4[%add3A_249, %dma_start3A_399, %dma_start3A_400] : memref<16384x56x128xf32, #tpu.memory_space<hbm>> -> memref<8x50x64xf32, #tpu.memory_space<hbm>>
        %dma_start3A_402 = arith.constant 0 : i32
        %dma_start3A_403 = arith.constant 0 : i32
        %dma_start3A_404 = tpu.memref_slice %arg4[%add3A_249, %dma_start3A_402, %dma_start3A_403] : memref<16384x56x128xf32, #tpu.memory_space<hbm>> -> memref<8x50x64xf32, #tpu.memory_space<hbm>>
        %dma_start3A_405 = arith.constant 0 : i32
        %dma_start3A_406 = arith.constant 0 : i32
        %dma_start3A_407 = arith.constant 0 : i32
        %dma_start3A_408 = tpu.memref_slice %arg6[%run_scoped3A, %dma_start3A_405, %dma_start3A_406, %dma_start3A_407] : memref<2x8x50x64xf32, #tpu.memory_space<vmem>> -> memref<1x8x50x64xf32, #tpu.memory_space<vmem>>
        %dma_start3A_409 = tpu.memref_squeeze %dma_start3A_408 : memref<1x8x50x64xf32, #tpu.memory_space<vmem>> -> memref<8x50x64xf32, #tpu.memory_space<vmem>>
        tpu.enqueue_dma source(%dma_start3A_409 : memref<8x50x64xf32, #tpu.memory_space<vmem>>) target(%dma_start3A_404 : memref<8x50x64xf32, #tpu.memory_space<hbm>>) target_semaphore(%run_scoped3A_393 : memref<!tpu.dma_semaphore, #tpu.memory_space<semaphore_mem>>)
        %dma_wait3A_410 = arith.constant 0 : i32
        %dma_wait3A_411 = arith.constant 0 : i32
        %dma_wait3A_412 = arith.constant 0 : i32
        %dma_wait3A_413 = tpu.memref_slice %arg6[%run_scoped3A, %dma_wait3A_410, %dma_wait3A_411, %dma_wait3A_412] : memref<2x8x50x64xf32, #tpu.memory_space<vmem>> -> memref<1x8x50x64xf32, #tpu.memory_space<vmem>>
        %dma_wait3A_414 = tpu.memref_squeeze %dma_wait3A_413 : memref<1x8x50x64xf32, #tpu.memory_space<vmem>> -> memref<8x50x64xf32, #tpu.memory_space<vmem>>
        %dma_wait3A_415 = arith.constant 0 : i32
        %dma_wait3A_416 = arith.constant 0 : i32
        %dma_wait3A_417 = tpu.memref_slice %arg4[%add3A_249, %dma_wait3A_415, %dma_wait3A_416] : memref<16384x56x128xf32, #tpu.memory_space<hbm>> -> memref<8x50x64xf32, #tpu.memory_space<hbm>>
        %dma_wait3A_418 = arith.constant 0 : i32
        %dma_wait3A_419 = arith.constant 0 : i32
        %dma_wait3A_420 = tpu.memref_slice %arg4[%add3A_249, %dma_wait3A_418, %dma_wait3A_419] : memref<16384x56x128xf32, #tpu.memory_space<hbm>> -> memref<8x50x64xf32, #tpu.memory_space<hbm>>
        %dma_wait3A_421 = arith.constant 0 : i32
        %dma_wait3A_422 = arith.constant 0 : i32
        %dma_wait3A_423 = arith.constant 0 : i32
        %dma_wait3A_424 = tpu.memref_slice %arg6[%run_scoped3A, %dma_wait3A_421, %dma_wait3A_422, %dma_wait3A_423] : memref<2x8x50x64xf32, #tpu.memory_space<vmem>> -> memref<1x8x50x64xf32, #tpu.memory_space<vmem>>
        %dma_wait3A_425 = tpu.memref_squeeze %dma_wait3A_424 : memref<1x8x50x64xf32, #tpu.memory_space<vmem>> -> memref<8x50x64xf32, #tpu.memory_space<vmem>>
        tpu.wait_dma2 semaphore(%run_scoped3A_393 : memref<!tpu.dma_semaphore, #tpu.memory_space<semaphore_mem>>) src(%dma_wait3A_425 : memref<8x50x64xf32, #tpu.memory_space<vmem>>) dst(%dma_wait3A_420 : memref<8x50x64xf32, #tpu.memory_space<hbm>>)
        tpu.yield
      }) : () -> ()
      %mul3A_250 = arith.constant 2 : i32
      %mul3A_251 = arith.muli %mul3A_250, %scan3A_111 : i32
      %add3A_252 = arith.constant 1 : i32
      %add3A_253 = arith.addi %mul3A_251, %add3A_252 : i32
      %add3A_254 = arith.constant 1 : i32
      %add3A_255 = arith.addi %add3A_253, %add3A_254 : i32
      %lt3A_256 = arith.constant 64 : i32
      %lt3A_257 = arith.cmpi slt, %add3A_255, %lt3A_256 : i32
      %convert_element_type3A_258 = arith.extui %lt3A_257 : i1 to i32
      %cond3A_259 = arith.constant 0 : i32
      %cond3A_260 = arith.cmpi ne, %convert_element_type3A_258, %cond3A_259 : i32
      scf.if %cond3A_260 {
        %add3A_393 = arith.constant 1 : i32
        %add3A_394 = arith.addi %add3A_253, %add3A_393 : i32
        %mul3A_395 = arith.constant 8 : i32
        %mul3A_396 = arith.muli %add3A_394, %mul3A_395 : i32
        %add3A_397 = arith.constant 0 : i32
        %add3A_398 = arith.addi %mul3A_396, %add3A_397 : i32
        %dma_start3A_399 = arith.constant 0 : i32
        %dma_start3A_400 = arith.constant 0 : i32
        %dma_start3A_401 = arith.constant 0 : i32
        %dma_start3A_402 = arith.constant 0 : i32
        %dma_start3A_403 = tpu.memref_slice %arg6[%dma_start3A_399, %dma_start3A_400, %dma_start3A_401, %dma_start3A_402] : memref<2x8x50x64xf32, #tpu.memory_space<vmem>> -> memref<1x1x50x64xf32, #tpu.memory_space<vmem>>
        %dma_start3A_404 = tpu.memref_squeeze %dma_start3A_403 : memref<1x1x50x64xf32, #tpu.memory_space<vmem>> -> memref<50x64xf32, #tpu.memory_space<vmem>>
        %dma_start3A_405 = arith.constant 0 : i32
        %dma_start3A_406 = tpu.memref_slice %arg5[%add3A_398, %dma_start3A_405] : memref<512x50xi32, #tpu.memory_space<vmem>> -> memref<1x50xi32, #tpu.memory_space<vmem>>
        %dma_start3A_407 = tpu.memref_squeeze %dma_start3A_406 : memref<1x50xi32, #tpu.memory_space<vmem>> -> memref<50xi32, #tpu.memory_space<vmem>>
        %dma_start3A_408 = arith.constant 0 : i32
        %dma_start3A_409 = arith.constant 0 : i32
        %dma_start3A_410 = tpu.memref_slice %arg3[%dma_start3A_408, %dma_start3A_409] : memref<1000000x64xf32, #tpu.memory_space<hbm>> -> memref<1000000x64xf32, #tpu.memory_space<hbm>>
        tpu.enqueue_indirect_dma source(%dma_start3A_410 : memref<1000000x64xf32, #tpu.memory_space<hbm>>) target(%dma_start3A_404 : memref<50x64xf32, #tpu.memory_space<vmem>>) offsets(%dma_start3A_407 : memref<50xi32, #tpu.memory_space<vmem>>) semaphore(%arg7 : memref<!tpu.dma_semaphore, #tpu.memory_space<semaphore_mem>>)
        %mul3A_411 = arith.constant 8 : i32
        %mul3A_412 = arith.muli %add3A_394, %mul3A_411 : i32
        %add3A_413 = arith.constant 1 : i32
        %add3A_414 = arith.addi %mul3A_412, %add3A_413 : i32
        %dma_start3A_415 = arith.constant 0 : i32
        %dma_start3A_416 = arith.constant 1 : i32
        %dma_start3A_417 = arith.constant 0 : i32
        %dma_start3A_418 = arith.constant 0 : i32
        %dma_start3A_419 = tpu.memref_slice %arg6[%dma_start3A_415, %dma_start3A_416, %dma_start3A_417, %dma_start3A_418] : memref<2x8x50x64xf32, #tpu.memory_space<vmem>> -> memref<1x1x50x64xf32, #tpu.memory_space<vmem>>
        %dma_start3A_420 = tpu.memref_squeeze %dma_start3A_419 : memref<1x1x50x64xf32, #tpu.memory_space<vmem>> -> memref<50x64xf32, #tpu.memory_space<vmem>>
        %dma_start3A_421 = arith.constant 0 : i32
        %dma_start3A_422 = tpu.memref_slice %arg5[%add3A_414, %dma_start3A_421] : memref<512x50xi32, #tpu.memory_space<vmem>> -> memref<1x50xi32, #tpu.memory_space<vmem>>
        %dma_start3A_423 = tpu.memref_squeeze %dma_start3A_422 : memref<1x50xi32, #tpu.memory_space<vmem>> -> memref<50xi32, #tpu.memory_space<vmem>>
        %dma_start3A_424 = arith.constant 0 : i32
        %dma_start3A_425 = arith.constant 0 : i32
        %dma_start3A_426 = tpu.memref_slice %arg3[%dma_start3A_424, %dma_start3A_425] : memref<1000000x64xf32, #tpu.memory_space<hbm>> -> memref<1000000x64xf32, #tpu.memory_space<hbm>>
        tpu.enqueue_indirect_dma source(%dma_start3A_426 : memref<1000000x64xf32, #tpu.memory_space<hbm>>) target(%dma_start3A_420 : memref<50x64xf32, #tpu.memory_space<vmem>>) offsets(%dma_start3A_423 : memref<50xi32, #tpu.memory_space<vmem>>) semaphore(%arg7 : memref<!tpu.dma_semaphore, #tpu.memory_space<semaphore_mem>>)
        %mul3A_427 = arith.constant 8 : i32
        %mul3A_428 = arith.muli %add3A_394, %mul3A_427 : i32
        %add3A_429 = arith.constant 2 : i32
        %add3A_430 = arith.addi %mul3A_428, %add3A_429 : i32
        %dma_start3A_431 = arith.constant 0 : i32
        %dma_start3A_432 = arith.constant 2 : i32
        %dma_start3A_433 = arith.constant 0 : i32
        %dma_start3A_434 = arith.constant 0 : i32
        %dma_start3A_435 = tpu.memref_slice %arg6[%dma_start3A_431, %dma_start3A_432, %dma_start3A_433, %dma_start3A_434] : memref<2x8x50x64xf32, #tpu.memory_space<vmem>> -> memref<1x1x50x64xf32, #tpu.memory_space<vmem>>
        %dma_start3A_436 = tpu.memref_squeeze %dma_start3A_435 : memref<1x1x50x64xf32, #tpu.memory_space<vmem>> -> memref<50x64xf32, #tpu.memory_space<vmem>>
        %dma_start3A_437 = arith.constant 0 : i32
        %dma_start3A_438 = tpu.memref_slice %arg5[%add3A_430, %dma_start3A_437] : memref<512x50xi32, #tpu.memory_space<vmem>> -> memref<1x50xi32, #tpu.memory_space<vmem>>
        %dma_start3A_439 = tpu.memref_squeeze %dma_start3A_438 : memref<1x50xi32, #tpu.memory_space<vmem>> -> memref<50xi32, #tpu.memory_space<vmem>>
        %dma_start3A_440 = arith.constant 0 : i32
        %dma_start3A_441 = arith.constant 0 : i32
        %dma_start3A_442 = tpu.memref_slice %arg3[%dma_start3A_440, %dma_start3A_441] : memref<1000000x64xf32, #tpu.memory_space<hbm>> -> memref<1000000x64xf32, #tpu.memory_space<hbm>>
        tpu.enqueue_indirect_dma source(%dma_start3A_442 : memref<1000000x64xf32, #tpu.memory_space<hbm>>) target(%dma_start3A_436 : memref<50x64xf32, #tpu.memory_space<vmem>>) offsets(%dma_start3A_439 : memref<50xi32, #tpu.memory_space<vmem>>) semaphore(%arg7 : memref<!tpu.dma_semaphore, #tpu.memory_space<semaphore_mem>>)
        %mul3A_443 = arith.constant 8 : i32
        %mul3A_444 = arith.muli %add3A_394, %mul3A_443 : i32
        %add3A_445 = arith.constant 3 : i32
        %add3A_446 = arith.addi %mul3A_444, %add3A_445 : i32
        %dma_start3A_447 = arith.constant 0 : i32
        %dma_start3A_448 = arith.constant 3 : i32
        %dma_start3A_449 = arith.constant 0 : i32
        %dma_start3A_450 = arith.constant 0 : i32
        %dma_start3A_451 = tpu.memref_slice %arg6[%dma_start3A_447, %dma_start3A_448, %dma_start3A_449, %dma_start3A_450] : memref<2x8x50x64xf32, #tpu.memory_space<vmem>> -> memref<1x1x50x64xf32, #tpu.memory_space<vmem>>
        %dma_start3A_452 = tpu.memref_squeeze %dma_start3A_451 : memref<1x1x50x64xf32, #tpu.memory_space<vmem>> -> memref<50x64xf32, #tpu.memory_space<vmem>>
        %dma_start3A_453 = arith.constant 0 : i32
        %dma_start3A_454 = tpu.memref_slice %arg5[%add3A_446, %dma_start3A_453] : memref<512x50xi32, #tpu.memory_space<vmem>> -> memref<1x50xi32, #tpu.memory_space<vmem>>
        %dma_start3A_455 = tpu.memref_squeeze %dma_start3A_454 : memref<1x50xi32, #tpu.memory_space<vmem>> -> memref<50xi32, #tpu.memory_space<vmem>>
        %dma_start3A_456 = arith.constant 0 : i32
        %dma_start3A_457 = arith.constant 0 : i32
        %dma_start3A_458 = tpu.memref_slice %arg3[%dma_start3A_456, %dma_start3A_457] : memref<1000000x64xf32, #tpu.memory_space<hbm>> -> memref<1000000x64xf32, #tpu.memory_space<hbm>>
        tpu.enqueue_indirect_dma source(%dma_start3A_458 : memref<1000000x64xf32, #tpu.memory_space<hbm>>) target(%dma_start3A_452 : memref<50x64xf32, #tpu.memory_space<vmem>>) offsets(%dma_start3A_455 : memref<50xi32, #tpu.memory_space<vmem>>) semaphore(%arg7 : memref<!tpu.dma_semaphore, #tpu.memory_space<semaphore_mem>>)
        %mul3A_459 = arith.constant 8 : i32
        %mul3A_460 = arith.muli %add3A_394, %mul3A_459 : i32
        %add3A_461 = arith.constant 4 : i32
        %add3A_462 = arith.addi %mul3A_460, %add3A_461 : i32
        %dma_start3A_463 = arith.constant 0 : i32
        %dma_start3A_464 = arith.constant 4 : i32
        %dma_start3A_465 = arith.constant 0 : i32
        %dma_start3A_466 = arith.constant 0 : i32
        %dma_start3A_467 = tpu.memref_slice %arg6[%dma_start3A_463, %dma_start3A_464, %dma_start3A_465, %dma_start3A_466] : memref<2x8x50x64xf32, #tpu.memory_space<vmem>> -> memref<1x1x50x64xf32, #tpu.memory_space<vmem>>
        %dma_start3A_468 = tpu.memref_squeeze %dma_start3A_467 : memref<1x1x50x64xf32, #tpu.memory_space<vmem>> -> memref<50x64xf32, #tpu.memory_space<vmem>>
        %dma_start3A_469 = arith.constant 0 : i32
        %dma_start3A_470 = tpu.memref_slice %arg5[%add3A_462, %dma_start3A_469] : memref<512x50xi32, #tpu.memory_space<vmem>> -> memref<1x50xi32, #tpu.memory_space<vmem>>
        %dma_start3A_471 = tpu.memref_squeeze %dma_start3A_470 : memref<1x50xi32, #tpu.memory_space<vmem>> -> memref<50xi32, #tpu.memory_space<vmem>>
        %dma_start3A_472 = arith.constant 0 : i32
        %dma_start3A_473 = arith.constant 0 : i32
        %dma_start3A_474 = tpu.memref_slice %arg3[%dma_start3A_472, %dma_start3A_473] : memref<1000000x64xf32, #tpu.memory_space<hbm>> -> memref<1000000x64xf32, #tpu.memory_space<hbm>>
        tpu.enqueue_indirect_dma source(%dma_start3A_474 : memref<1000000x64xf32, #tpu.memory_space<hbm>>) target(%dma_start3A_468 : memref<50x64xf32, #tpu.memory_space<vmem>>) offsets(%dma_start3A_471 : memref<50xi32, #tpu.memory_space<vmem>>) semaphore(%arg7 : memref<!tpu.dma_semaphore, #tpu.memory_space<semaphore_mem>>)
        %mul3A_475 = arith.constant 8 : i32
        %mul3A_476 = arith.muli %add3A_394, %mul3A_475 : i32
        %add3A_477 = arith.constant 5 : i32
        %add3A_478 = arith.addi %mul3A_476, %add3A_477 : i32
        %dma_start3A_479 = arith.constant 0 : i32
        %dma_start3A_480 = arith.constant 5 : i32
        %dma_start3A_481 = arith.constant 0 : i32
        %dma_start3A_482 = arith.constant 0 : i32
        %dma_start3A_483 = tpu.memref_slice %arg6[%dma_start3A_479, %dma_start3A_480, %dma_start3A_481, %dma_start3A_482] : memref<2x8x50x64xf32, #tpu.memory_space<vmem>> -> memref<1x1x50x64xf32, #tpu.memory_space<vmem>>
        %dma_start3A_484 = tpu.memref_squeeze %dma_start3A_483 : memref<1x1x50x64xf32, #tpu.memory_space<vmem>> -> memref<50x64xf32, #tpu.memory_space<vmem>>
        %dma_start3A_485 = arith.constant 0 : i32
        %dma_start3A_486 = tpu.memref_slice %arg5[%add3A_478, %dma_start3A_485] : memref<512x50xi32, #tpu.memory_space<vmem>> -> memref<1x50xi32, #tpu.memory_space<vmem>>
        %dma_start3A_487 = tpu.memref_squeeze %dma_start3A_486 : memref<1x50xi32, #tpu.memory_space<vmem>> -> memref<50xi32, #tpu.memory_space<vmem>>
        %dma_start3A_488 = arith.constant 0 : i32
        %dma_start3A_489 = arith.constant 0 : i32
        %dma_start3A_490 = tpu.memref_slice %arg3[%dma_start3A_488, %dma_start3A_489] : memref<1000000x64xf32, #tpu.memory_space<hbm>> -> memref<1000000x64xf32, #tpu.memory_space<hbm>>
        tpu.enqueue_indirect_dma source(%dma_start3A_490 : memref<1000000x64xf32, #tpu.memory_space<hbm>>) target(%dma_start3A_484 : memref<50x64xf32, #tpu.memory_space<vmem>>) offsets(%dma_start3A_487 : memref<50xi32, #tpu.memory_space<vmem>>) semaphore(%arg7 : memref<!tpu.dma_semaphore, #tpu.memory_space<semaphore_mem>>)
        %mul3A_491 = arith.constant 8 : i32
        %mul3A_492 = arith.muli %add3A_394, %mul3A_491 : i32
        %add3A_493 = arith.constant 6 : i32
        %add3A_494 = arith.addi %mul3A_492, %add3A_493 : i32
        %dma_start3A_495 = arith.constant 0 : i32
        %dma_start3A_496 = arith.constant 6 : i32
        %dma_start3A_497 = arith.constant 0 : i32
        %dma_start3A_498 = arith.constant 0 : i32
        %dma_start3A_499 = tpu.memref_slice %arg6[%dma_start3A_495, %dma_start3A_496, %dma_start3A_497, %dma_start3A_498] : memref<2x8x50x64xf32, #tpu.memory_space<vmem>> -> memref<1x1x50x64xf32, #tpu.memory_space<vmem>>
        %dma_start3A_500 = tpu.memref_squeeze %dma_start3A_499 : memref<1x1x50x64xf32, #tpu.memory_space<vmem>> -> memref<50x64xf32, #tpu.memory_space<vmem>>
        %dma_start3A_501 = arith.constant 0 : i32
        %dma_start3A_502 = tpu.memref_slice %arg5[%add3A_494, %dma_start3A_501] : memref<512x50xi32, #tpu.memory_space<vmem>> -> memref<1x50xi32, #tpu.memory_space<vmem>>
        %dma_start3A_503 = tpu.memref_squeeze %dma_start3A_502 : memref<1x50xi32, #tpu.memory_space<vmem>> -> memref<50xi32, #tpu.memory_space<vmem>>
        %dma_start3A_504 = arith.constant 0 : i32
        %dma_start3A_505 = arith.constant 0 : i32
        %dma_start3A_506 = tpu.memref_slice %arg3[%dma_start3A_504, %dma_start3A_505] : memref<1000000x64xf32, #tpu.memory_space<hbm>> -> memref<1000000x64xf32, #tpu.memory_space<hbm>>
        tpu.enqueue_indirect_dma source(%dma_start3A_506 : memref<1000000x64xf32, #tpu.memory_space<hbm>>) target(%dma_start3A_500 : memref<50x64xf32, #tpu.memory_space<vmem>>) offsets(%dma_start3A_503 : memref<50xi32, #tpu.memory_space<vmem>>) semaphore(%arg7 : memref<!tpu.dma_semaphore, #tpu.memory_space<semaphore_mem>>)
        %mul3A_507 = arith.constant 8 : i32
        %mul3A_508 = arith.muli %add3A_394, %mul3A_507 : i32
        %add3A_509 = arith.constant 7 : i32
        %add3A_510 = arith.addi %mul3A_508, %add3A_509 : i32
        %dma_start3A_511 = arith.constant 0 : i32
        %dma_start3A_512 = arith.constant 7 : i32
        %dma_start3A_513 = arith.constant 0 : i32
        %dma_start3A_514 = arith.constant 0 : i32
        %dma_start3A_515 = tpu.memref_slice %arg6[%dma_start3A_511, %dma_start3A_512, %dma_start3A_513, %dma_start3A_514] : memref<2x8x50x64xf32, #tpu.memory_space<vmem>> -> memref<1x1x50x64xf32, #tpu.memory_space<vmem>>
        %dma_start3A_516 = tpu.memref_squeeze %dma_start3A_515 : memref<1x1x50x64xf32, #tpu.memory_space<vmem>> -> memref<50x64xf32, #tpu.memory_space<vmem>>
        %dma_start3A_517 = arith.constant 0 : i32
        %dma_start3A_518 = tpu.memref_slice %arg5[%add3A_510, %dma_start3A_517] : memref<512x50xi32, #tpu.memory_space<vmem>> -> memref<1x50xi32, #tpu.memory_space<vmem>>
        %dma_start3A_519 = tpu.memref_squeeze %dma_start3A_518 : memref<1x50xi32, #tpu.memory_space<vmem>> -> memref<50xi32, #tpu.memory_space<vmem>>
        %dma_start3A_520 = arith.constant 0 : i32
        %dma_start3A_521 = arith.constant 0 : i32
        %dma_start3A_522 = tpu.memref_slice %arg3[%dma_start3A_520, %dma_start3A_521] : memref<1000000x64xf32, #tpu.memory_space<hbm>> -> memref<1000000x64xf32, #tpu.memory_space<hbm>>
        tpu.enqueue_indirect_dma source(%dma_start3A_522 : memref<1000000x64xf32, #tpu.memory_space<hbm>>) target(%dma_start3A_516 : memref<50x64xf32, #tpu.memory_space<vmem>>) offsets(%dma_start3A_519 : memref<50xi32, #tpu.memory_space<vmem>>) semaphore(%arg7 : memref<!tpu.dma_semaphore, #tpu.memory_space<semaphore_mem>>)
      } else {
      }
      %dma_wait3A_261 = arith.constant 1 : i32
      %dma_wait3A_262 = arith.constant 0 : i32
      %dma_wait3A_263 = arith.constant 0 : i32
      %dma_wait3A_264 = arith.constant 0 : i32
      %dma_wait3A_265 = tpu.memref_slice %arg6[%dma_wait3A_261, %dma_wait3A_262, %dma_wait3A_263, %dma_wait3A_264] : memref<2x8x50x64xf32, #tpu.memory_space<vmem>> -> memref<1x1x50x64xf32, #tpu.memory_space<vmem>>
      %dma_wait3A_266 = tpu.memref_squeeze %dma_wait3A_265 : memref<1x1x50x64xf32, #tpu.memory_space<vmem>> -> memref<50x64xf32, #tpu.memory_space<vmem>>
      %dma_wait3A_267 = arith.constant 0 : i32
      %dma_wait3A_268 = arith.constant 0 : i32
      %dma_wait3A_269 = tpu.memref_slice %arg3[%dma_wait3A_267, %dma_wait3A_268] : memref<1000000x64xf32, #tpu.memory_space<hbm>> -> memref<50x64xf32, #tpu.memory_space<hbm>>
      %dma_wait3A_270 = arith.constant 0 : i32
      %dma_wait3A_271 = arith.constant 0 : i32
      %dma_wait3A_272 = tpu.memref_slice %arg6[%dma_wait3A_261, %dma_wait3A_262, %dma_wait3A_270, %dma_wait3A_271] : memref<2x8x50x64xf32, #tpu.memory_space<vmem>> -> memref<1x1x50x64xf32, #tpu.memory_space<vmem>>
      %dma_wait3A_273 = tpu.memref_squeeze %dma_wait3A_272 : memref<1x1x50x64xf32, #tpu.memory_space<vmem>> -> memref<50x64xf32, #tpu.memory_space<vmem>>
      %dma_wait3A_274 = arith.constant 0 : i32
      %dma_wait3A_275 = arith.constant 0 : i32
      %dma_wait3A_276 = tpu.memref_slice %arg3[%dma_wait3A_274, %dma_wait3A_275] : memref<1000000x64xf32, #tpu.memory_space<hbm>> -> memref<50x64xf32, #tpu.memory_space<hbm>>
      tpu.wait_dma2 semaphore(%arg8 : memref<!tpu.dma_semaphore, #tpu.memory_space<semaphore_mem>>) src(%dma_wait3A_276 : memref<50x64xf32, #tpu.memory_space<hbm>>) dst(%dma_wait3A_273 : memref<50x64xf32, #tpu.memory_space<vmem>>)
      %dma_wait3A_277 = arith.constant 1 : i32
      %dma_wait3A_278 = arith.constant 1 : i32
      %dma_wait3A_279 = arith.constant 0 : i32
      %dma_wait3A_280 = arith.constant 0 : i32
      %dma_wait3A_281 = tpu.memref_slice %arg6[%dma_wait3A_277, %dma_wait3A_278, %dma_wait3A_279, %dma_wait3A_280] : memref<2x8x50x64xf32, #tpu.memory_space<vmem>> -> memref<1x1x50x64xf32, #tpu.memory_space<vmem>>
      %dma_wait3A_282 = tpu.memref_squeeze %dma_wait3A_281 : memref<1x1x50x64xf32, #tpu.memory_space<vmem>> -> memref<50x64xf32, #tpu.memory_space<vmem>>
      %dma_wait3A_283 = arith.constant 0 : i32
      %dma_wait3A_284 = arith.constant 0 : i32
      %dma_wait3A_285 = tpu.memref_slice %arg3[%dma_wait3A_283, %dma_wait3A_284] : memref<1000000x64xf32, #tpu.memory_space<hbm>> -> memref<50x64xf32, #tpu.memory_space<hbm>>
      %dma_wait3A_286 = arith.constant 0 : i32
      %dma_wait3A_287 = arith.constant 0 : i32
      %dma_wait3A_288 = tpu.memref_slice %arg6[%dma_wait3A_277, %dma_wait3A_278, %dma_wait3A_286, %dma_wait3A_287] : memref<2x8x50x64xf32, #tpu.memory_space<vmem>> -> memref<1x1x50x64xf32, #tpu.memory_space<vmem>>
      %dma_wait3A_289 = tpu.memref_squeeze %dma_wait3A_288 : memref<1x1x50x64xf32, #tpu.memory_space<vmem>> -> memref<50x64xf32, #tpu.memory_space<vmem>>
      %dma_wait3A_290 = arith.constant 0 : i32
      %dma_wait3A_291 = arith.constant 0 : i32
      %dma_wait3A_292 = tpu.memref_slice %arg3[%dma_wait3A_290, %dma_wait3A_291] : memref<1000000x64xf32, #tpu.memory_space<hbm>> -> memref<50x64xf32, #tpu.memory_space<hbm>>
      tpu.wait_dma2 semaphore(%arg8 : memref<!tpu.dma_semaphore, #tpu.memory_space<semaphore_mem>>) src(%dma_wait3A_292 : memref<50x64xf32, #tpu.memory_space<hbm>>) dst(%dma_wait3A_289 : memref<50x64xf32, #tpu.memory_space<vmem>>)
      %dma_wait3A_293 = arith.constant 1 : i32
      %dma_wait3A_294 = arith.constant 2 : i32
      %dma_wait3A_295 = arith.constant 0 : i32
      %dma_wait3A_296 = arith.constant 0 : i32
      %dma_wait3A_297 = tpu.memref_slice %arg6[%dma_wait3A_293, %dma_wait3A_294, %dma_wait3A_295, %dma_wait3A_296] : memref<2x8x50x64xf32, #tpu.memory_space<vmem>> -> memref<1x1x50x64xf32, #tpu.memory_space<vmem>>
      %dma_wait3A_298 = tpu.memref_squeeze %dma_wait3A_297 : memref<1x1x50x64xf32, #tpu.memory_space<vmem>> -> memref<50x64xf32, #tpu.memory_space<vmem>>
      %dma_wait3A_299 = arith.constant 0 : i32
      %dma_wait3A_300 = arith.constant 0 : i32
      %dma_wait3A_301 = tpu.memref_slice %arg3[%dma_wait3A_299, %dma_wait3A_300] : memref<1000000x64xf32, #tpu.memory_space<hbm>> -> memref<50x64xf32, #tpu.memory_space<hbm>>
      %dma_wait3A_302 = arith.constant 0 : i32
      %dma_wait3A_303 = arith.constant 0 : i32
      %dma_wait3A_304 = tpu.memref_slice %arg6[%dma_wait3A_293, %dma_wait3A_294, %dma_wait3A_302, %dma_wait3A_303] : memref<2x8x50x64xf32, #tpu.memory_space<vmem>> -> memref<1x1x50x64xf32, #tpu.memory_space<vmem>>
      %dma_wait3A_305 = tpu.memref_squeeze %dma_wait3A_304 : memref<1x1x50x64xf32, #tpu.memory_space<vmem>> -> memref<50x64xf32, #tpu.memory_space<vmem>>
      %dma_wait3A_306 = arith.constant 0 : i32
      %dma_wait3A_307 = arith.constant 0 : i32
      %dma_wait3A_308 = tpu.memref_slice %arg3[%dma_wait3A_306, %dma_wait3A_307] : memref<1000000x64xf32, #tpu.memory_space<hbm>> -> memref<50x64xf32, #tpu.memory_space<hbm>>
      tpu.wait_dma2 semaphore(%arg8 : memref<!tpu.dma_semaphore, #tpu.memory_space<semaphore_mem>>) src(%dma_wait3A_308 : memref<50x64xf32, #tpu.memory_space<hbm>>) dst(%dma_wait3A_305 : memref<50x64xf32, #tpu.memory_space<vmem>>)
      %dma_wait3A_309 = arith.constant 1 : i32
      %dma_wait3A_310 = arith.constant 3 : i32
      %dma_wait3A_311 = arith.constant 0 : i32
      %dma_wait3A_312 = arith.constant 0 : i32
      %dma_wait3A_313 = tpu.memref_slice %arg6[%dma_wait3A_309, %dma_wait3A_310, %dma_wait3A_311, %dma_wait3A_312] : memref<2x8x50x64xf32, #tpu.memory_space<vmem>> -> memref<1x1x50x64xf32, #tpu.memory_space<vmem>>
      %dma_wait3A_314 = tpu.memref_squeeze %dma_wait3A_313 : memref<1x1x50x64xf32, #tpu.memory_space<vmem>> -> memref<50x64xf32, #tpu.memory_space<vmem>>
      %dma_wait3A_315 = arith.constant 0 : i32
      %dma_wait3A_316 = arith.constant 0 : i32
      %dma_wait3A_317 = tpu.memref_slice %arg3[%dma_wait3A_315, %dma_wait3A_316] : memref<1000000x64xf32, #tpu.memory_space<hbm>> -> memref<50x64xf32, #tpu.memory_space<hbm>>
      %dma_wait3A_318 = arith.constant 0 : i32
      %dma_wait3A_319 = arith.constant 0 : i32
      %dma_wait3A_320 = tpu.memref_slice %arg6[%dma_wait3A_309, %dma_wait3A_310, %dma_wait3A_318, %dma_wait3A_319] : memref<2x8x50x64xf32, #tpu.memory_space<vmem>> -> memref<1x1x50x64xf32, #tpu.memory_space<vmem>>
      %dma_wait3A_321 = tpu.memref_squeeze %dma_wait3A_320 : memref<1x1x50x64xf32, #tpu.memory_space<vmem>> -> memref<50x64xf32, #tpu.memory_space<vmem>>
      %dma_wait3A_322 = arith.constant 0 : i32
      %dma_wait3A_323 = arith.constant 0 : i32
      %dma_wait3A_324 = tpu.memref_slice %arg3[%dma_wait3A_322, %dma_wait3A_323] : memref<1000000x64xf32, #tpu.memory_space<hbm>> -> memref<50x64xf32, #tpu.memory_space<hbm>>
      tpu.wait_dma2 semaphore(%arg8 : memref<!tpu.dma_semaphore, #tpu.memory_space<semaphore_mem>>) src(%dma_wait3A_324 : memref<50x64xf32, #tpu.memory_space<hbm>>) dst(%dma_wait3A_321 : memref<50x64xf32, #tpu.memory_space<vmem>>)
      %dma_wait3A_325 = arith.constant 1 : i32
      %dma_wait3A_326 = arith.constant 4 : i32
      %dma_wait3A_327 = arith.constant 0 : i32
      %dma_wait3A_328 = arith.constant 0 : i32
      %dma_wait3A_329 = tpu.memref_slice %arg6[%dma_wait3A_325, %dma_wait3A_326, %dma_wait3A_327, %dma_wait3A_328] : memref<2x8x50x64xf32, #tpu.memory_space<vmem>> -> memref<1x1x50x64xf32, #tpu.memory_space<vmem>>
      %dma_wait3A_330 = tpu.memref_squeeze %dma_wait3A_329 : memref<1x1x50x64xf32, #tpu.memory_space<vmem>> -> memref<50x64xf32, #tpu.memory_space<vmem>>
      %dma_wait3A_331 = arith.constant 0 : i32
      %dma_wait3A_332 = arith.constant 0 : i32
      %dma_wait3A_333 = tpu.memref_slice %arg3[%dma_wait3A_331, %dma_wait3A_332] : memref<1000000x64xf32, #tpu.memory_space<hbm>> -> memref<50x64xf32, #tpu.memory_space<hbm>>
      %dma_wait3A_334 = arith.constant 0 : i32
      %dma_wait3A_335 = arith.constant 0 : i32
      %dma_wait3A_336 = tpu.memref_slice %arg6[%dma_wait3A_325, %dma_wait3A_326, %dma_wait3A_334, %dma_wait3A_335] : memref<2x8x50x64xf32, #tpu.memory_space<vmem>> -> memref<1x1x50x64xf32, #tpu.memory_space<vmem>>
      %dma_wait3A_337 = tpu.memref_squeeze %dma_wait3A_336 : memref<1x1x50x64xf32, #tpu.memory_space<vmem>> -> memref<50x64xf32, #tpu.memory_space<vmem>>
      %dma_wait3A_338 = arith.constant 0 : i32
      %dma_wait3A_339 = arith.constant 0 : i32
      %dma_wait3A_340 = tpu.memref_slice %arg3[%dma_wait3A_338, %dma_wait3A_339] : memref<1000000x64xf32, #tpu.memory_space<hbm>> -> memref<50x64xf32, #tpu.memory_space<hbm>>
      tpu.wait_dma2 semaphore(%arg8 : memref<!tpu.dma_semaphore, #tpu.memory_space<semaphore_mem>>) src(%dma_wait3A_340 : memref<50x64xf32, #tpu.memory_space<hbm>>) dst(%dma_wait3A_337 : memref<50x64xf32, #tpu.memory_space<vmem>>)
      %dma_wait3A_341 = arith.constant 1 : i32
      %dma_wait3A_342 = arith.constant 5 : i32
      %dma_wait3A_343 = arith.constant 0 : i32
      %dma_wait3A_344 = arith.constant 0 : i32
      %dma_wait3A_345 = tpu.memref_slice %arg6[%dma_wait3A_341, %dma_wait3A_342, %dma_wait3A_343, %dma_wait3A_344] : memref<2x8x50x64xf32, #tpu.memory_space<vmem>> -> memref<1x1x50x64xf32, #tpu.memory_space<vmem>>
      %dma_wait3A_346 = tpu.memref_squeeze %dma_wait3A_345 : memref<1x1x50x64xf32, #tpu.memory_space<vmem>> -> memref<50x64xf32, #tpu.memory_space<vmem>>
      %dma_wait3A_347 = arith.constant 0 : i32
      %dma_wait3A_348 = arith.constant 0 : i32
      %dma_wait3A_349 = tpu.memref_slice %arg3[%dma_wait3A_347, %dma_wait3A_348] : memref<1000000x64xf32, #tpu.memory_space<hbm>> -> memref<50x64xf32, #tpu.memory_space<hbm>>
      %dma_wait3A_350 = arith.constant 0 : i32
      %dma_wait3A_351 = arith.constant 0 : i32
      %dma_wait3A_352 = tpu.memref_slice %arg6[%dma_wait3A_341, %dma_wait3A_342, %dma_wait3A_350, %dma_wait3A_351] : memref<2x8x50x64xf32, #tpu.memory_space<vmem>> -> memref<1x1x50x64xf32, #tpu.memory_space<vmem>>
      %dma_wait3A_353 = tpu.memref_squeeze %dma_wait3A_352 : memref<1x1x50x64xf32, #tpu.memory_space<vmem>> -> memref<50x64xf32, #tpu.memory_space<vmem>>
      %dma_wait3A_354 = arith.constant 0 : i32
      %dma_wait3A_355 = arith.constant 0 : i32
      %dma_wait3A_356 = tpu.memref_slice %arg3[%dma_wait3A_354, %dma_wait3A_355] : memref<1000000x64xf32, #tpu.memory_space<hbm>> -> memref<50x64xf32, #tpu.memory_space<hbm>>
      tpu.wait_dma2 semaphore(%arg8 : memref<!tpu.dma_semaphore, #tpu.memory_space<semaphore_mem>>) src(%dma_wait3A_356 : memref<50x64xf32, #tpu.memory_space<hbm>>) dst(%dma_wait3A_353 : memref<50x64xf32, #tpu.memory_space<vmem>>)
      %dma_wait3A_357 = arith.constant 1 : i32
      %dma_wait3A_358 = arith.constant 6 : i32
      %dma_wait3A_359 = arith.constant 0 : i32
      %dma_wait3A_360 = arith.constant 0 : i32
      %dma_wait3A_361 = tpu.memref_slice %arg6[%dma_wait3A_357, %dma_wait3A_358, %dma_wait3A_359, %dma_wait3A_360] : memref<2x8x50x64xf32, #tpu.memory_space<vmem>> -> memref<1x1x50x64xf32, #tpu.memory_space<vmem>>
      %dma_wait3A_362 = tpu.memref_squeeze %dma_wait3A_361 : memref<1x1x50x64xf32, #tpu.memory_space<vmem>> -> memref<50x64xf32, #tpu.memory_space<vmem>>
      %dma_wait3A_363 = arith.constant 0 : i32
      %dma_wait3A_364 = arith.constant 0 : i32
      %dma_wait3A_365 = tpu.memref_slice %arg3[%dma_wait3A_363, %dma_wait3A_364] : memref<1000000x64xf32, #tpu.memory_space<hbm>> -> memref<50x64xf32, #tpu.memory_space<hbm>>
      %dma_wait3A_366 = arith.constant 0 : i32
      %dma_wait3A_367 = arith.constant 0 : i32
      %dma_wait3A_368 = tpu.memref_slice %arg6[%dma_wait3A_357, %dma_wait3A_358, %dma_wait3A_366, %dma_wait3A_367] : memref<2x8x50x64xf32, #tpu.memory_space<vmem>> -> memref<1x1x50x64xf32, #tpu.memory_space<vmem>>
      %dma_wait3A_369 = tpu.memref_squeeze %dma_wait3A_368 : memref<1x1x50x64xf32, #tpu.memory_space<vmem>> -> memref<50x64xf32, #tpu.memory_space<vmem>>
      %dma_wait3A_370 = arith.constant 0 : i32
      %dma_wait3A_371 = arith.constant 0 : i32
      %dma_wait3A_372 = tpu.memref_slice %arg3[%dma_wait3A_370, %dma_wait3A_371] : memref<1000000x64xf32, #tpu.memory_space<hbm>> -> memref<50x64xf32, #tpu.memory_space<hbm>>
      tpu.wait_dma2 semaphore(%arg8 : memref<!tpu.dma_semaphore, #tpu.memory_space<semaphore_mem>>) src(%dma_wait3A_372 : memref<50x64xf32, #tpu.memory_space<hbm>>) dst(%dma_wait3A_369 : memref<50x64xf32, #tpu.memory_space<vmem>>)
      %dma_wait3A_373 = arith.constant 1 : i32
      %dma_wait3A_374 = arith.constant 7 : i32
      %dma_wait3A_375 = arith.constant 0 : i32
      %dma_wait3A_376 = arith.constant 0 : i32
      %dma_wait3A_377 = tpu.memref_slice %arg6[%dma_wait3A_373, %dma_wait3A_374, %dma_wait3A_375, %dma_wait3A_376] : memref<2x8x50x64xf32, #tpu.memory_space<vmem>> -> memref<1x1x50x64xf32, #tpu.memory_space<vmem>>
      %dma_wait3A_378 = tpu.memref_squeeze %dma_wait3A_377 : memref<1x1x50x64xf32, #tpu.memory_space<vmem>> -> memref<50x64xf32, #tpu.memory_space<vmem>>
      %dma_wait3A_379 = arith.constant 0 : i32
      %dma_wait3A_380 = arith.constant 0 : i32
      %dma_wait3A_381 = tpu.memref_slice %arg3[%dma_wait3A_379, %dma_wait3A_380] : memref<1000000x64xf32, #tpu.memory_space<hbm>> -> memref<50x64xf32, #tpu.memory_space<hbm>>
      %dma_wait3A_382 = arith.constant 0 : i32
      %dma_wait3A_383 = arith.constant 0 : i32
      %dma_wait3A_384 = tpu.memref_slice %arg6[%dma_wait3A_373, %dma_wait3A_374, %dma_wait3A_382, %dma_wait3A_383] : memref<2x8x50x64xf32, #tpu.memory_space<vmem>> -> memref<1x1x50x64xf32, #tpu.memory_space<vmem>>
      %dma_wait3A_385 = tpu.memref_squeeze %dma_wait3A_384 : memref<1x1x50x64xf32, #tpu.memory_space<vmem>> -> memref<50x64xf32, #tpu.memory_space<vmem>>
      %dma_wait3A_386 = arith.constant 0 : i32
      %dma_wait3A_387 = arith.constant 0 : i32
      %dma_wait3A_388 = tpu.memref_slice %arg3[%dma_wait3A_386, %dma_wait3A_387] : memref<1000000x64xf32, #tpu.memory_space<hbm>> -> memref<50x64xf32, #tpu.memory_space<hbm>>
      tpu.wait_dma2 semaphore(%arg8 : memref<!tpu.dma_semaphore, #tpu.memory_space<semaphore_mem>>) src(%dma_wait3A_388 : memref<50x64xf32, #tpu.memory_space<hbm>>) dst(%dma_wait3A_385 : memref<50x64xf32, #tpu.memory_space<vmem>>)
      %mul3A_389 = arith.constant 8 : i32
      %mul3A_390 = arith.muli %add3A_253, %mul3A_389 : i32
      %add3A_391 = arith.addi %mul3A_2, %mul3A_390 : i32
      %run_scoped3A_392 = arith.constant 1 : i32
      "tpu.region"() ({
        %run_scoped3A_393 = tpu.sem_alloc : memref<!tpu.dma_semaphore, #tpu.memory_space<semaphore_mem>>
        %dma_start3A_394 = arith.constant 0 : i32
        %dma_start3A_395 = arith.constant 0 : i32
        %dma_start3A_396 = arith.constant 0 : i32
        %dma_start3A_397 = tpu.memref_slice %arg6[%run_scoped3A_392, %dma_start3A_394, %dma_start3A_395, %dma_start3A_396] : memref<2x8x50x64xf32, #tpu.memory_space<vmem>> -> memref<1x8x50x64xf32, #tpu.memory_space<vmem>>
        %dma_start3A_398 = tpu.memref_squeeze %dma_start3A_397 : memref<1x8x50x64xf32, #tpu.memory_space<vmem>> -> memref<8x50x64xf32, #tpu.memory_space<vmem>>
        %dma_start3A_399 = arith.constant 0 : i32
        %dma_start3A_400 = arith.constant 0 : i32
        %dma_start3A_401 = tpu.memref_slice %arg4[%add3A_391, %dma_start3A_399, %dma_start3A_400] : memref<16384x56x128xf32, #tpu.memory_space<hbm>> -> memref<8x50x64xf32, #tpu.memory_space<hbm>>
        %dma_start3A_402 = arith.constant 0 : i32
        %dma_start3A_403 = arith.constant 0 : i32
        %dma_start3A_404 = tpu.memref_slice %arg4[%add3A_391, %dma_start3A_402, %dma_start3A_403] : memref<16384x56x128xf32, #tpu.memory_space<hbm>> -> memref<8x50x64xf32, #tpu.memory_space<hbm>>
        %dma_start3A_405 = arith.constant 0 : i32
        %dma_start3A_406 = arith.constant 0 : i32
        %dma_start3A_407 = arith.constant 0 : i32
        %dma_start3A_408 = tpu.memref_slice %arg6[%run_scoped3A_392, %dma_start3A_405, %dma_start3A_406, %dma_start3A_407] : memref<2x8x50x64xf32, #tpu.memory_space<vmem>> -> memref<1x8x50x64xf32, #tpu.memory_space<vmem>>
        %dma_start3A_409 = tpu.memref_squeeze %dma_start3A_408 : memref<1x8x50x64xf32, #tpu.memory_space<vmem>> -> memref<8x50x64xf32, #tpu.memory_space<vmem>>
        tpu.enqueue_dma source(%dma_start3A_409 : memref<8x50x64xf32, #tpu.memory_space<vmem>>) target(%dma_start3A_404 : memref<8x50x64xf32, #tpu.memory_space<hbm>>) target_semaphore(%run_scoped3A_393 : memref<!tpu.dma_semaphore, #tpu.memory_space<semaphore_mem>>)
        %dma_wait3A_410 = arith.constant 0 : i32
        %dma_wait3A_411 = arith.constant 0 : i32
        %dma_wait3A_412 = arith.constant 0 : i32
        %dma_wait3A_413 = tpu.memref_slice %arg6[%run_scoped3A_392, %dma_wait3A_410, %dma_wait3A_411, %dma_wait3A_412] : memref<2x8x50x64xf32, #tpu.memory_space<vmem>> -> memref<1x8x50x64xf32, #tpu.memory_space<vmem>>
        %dma_wait3A_414 = tpu.memref_squeeze %dma_wait3A_413 : memref<1x8x50x64xf32, #tpu.memory_space<vmem>> -> memref<8x50x64xf32, #tpu.memory_space<vmem>>
        %dma_wait3A_415 = arith.constant 0 : i32
        %dma_wait3A_416 = arith.constant 0 : i32
        %dma_wait3A_417 = tpu.memref_slice %arg4[%add3A_391, %dma_wait3A_415, %dma_wait3A_416] : memref<16384x56x128xf32, #tpu.memory_space<hbm>> -> memref<8x50x64xf32, #tpu.memory_space<hbm>>
        %dma_wait3A_418 = arith.constant 0 : i32
        %dma_wait3A_419 = arith.constant 0 : i32
        %dma_wait3A_420 = tpu.memref_slice %arg4[%add3A_391, %dma_wait3A_418, %dma_wait3A_419] : memref<16384x56x128xf32, #tpu.memory_space<hbm>> -> memref<8x50x64xf32, #tpu.memory_space<hbm>>
        %dma_wait3A_421 = arith.constant 0 : i32
        %dma_wait3A_422 = arith.constant 0 : i32
        %dma_wait3A_423 = arith.constant 0 : i32
        %dma_wait3A_424 = tpu.memref_slice %arg6[%run_scoped3A_392, %dma_wait3A_421, %dma_wait3A_422, %dma_wait3A_423] : memref<2x8x50x64xf32, #tpu.memory_space<vmem>> -> memref<1x8x50x64xf32, #tpu.memory_space<vmem>>
        %dma_wait3A_425 = tpu.memref_squeeze %dma_wait3A_424 : memref<1x8x50x64xf32, #tpu.memory_space<vmem>> -> memref<8x50x64xf32, #tpu.memory_space<vmem>>
        tpu.wait_dma2 semaphore(%run_scoped3A_393 : memref<!tpu.dma_semaphore, #tpu.memory_space<semaphore_mem>>) src(%dma_wait3A_425 : memref<8x50x64xf32, #tpu.memory_space<vmem>>) dst(%dma_wait3A_420 : memref<8x50x64xf32, #tpu.memory_space<hbm>>)
        tpu.yield
      }) : () -> ()
    }
    %scan3A_110 = arith.constant 32 : i32
    return
  }
}

</mosaic_0001>

<sc_bundles>
// kernel: kernel.3.cloned.1.call-start
scs
__scs_entry_jumppad:
0x0: {  	(pc) =	sbr.rel $0x88, $3  }
0x1: {  	(tag) =	ssettag $0x0;
	lr =	simm.s32 $0x1  }
0x2: {  	[smem:$0x3F9F] =	sst lr;
	_ =	strace $0xD0000000  }
0x3: {  	_ = 	snop  }
0x4: {  	_ = 	snop  }
0x5: {  	_ = 	snop  }
0x6: {  	_ = 	snop  }
0x7: {  	_ = 	snop  }
__scs_overlays_trampoline_lowered:
0x8: {  	[smem:$0x3FAE] =	sst s0  }
0x9: {  	[smem:$0x3FAF] =	sst s1  }
0xa: {  	[smem:$0x3FB0] =	sst s2  }
0xb: {  	[smem:$0x3FB1] =	sst s3  }
0xc: {  	[smem:$0x3FB2] =	sst s4  }
0xd: {  	[smem:$0x3FB3] =	sst s5  }
0xe: {  	[smem:$0x3FB4] =	sst s6  }
0xf: {  	[smem:$0x3FB5] =	sst s7  }
0x10: {  	[smem:$0x3FB6] =	sst s8  }
0x11: {  	[smem:$0x3FB7] =	sst s9;
	s0 =	simm.s32 @!p0 $0x0  }
0x12: {  	s1 =	sld [smem:$0x3F9D];
	s0 =	simm.s32 @p0 $0x1  }
0x13: {  	[smem:$0x3FB8] =	sst s0;
	s0 =	simm.s32 @!p1 $0x0  }
0x14: {  	s2 =	sld [smem:$0x3F9C];
	s0 =	simm.s32 @p1 $0x1  }
0x15: {  	[smem:$0x3FB9] =	sst s0;
	s0 =	simm.s32 @!p2 $0x0  }
0x16: {  	s3 =	sld [smem:$0x3FDB];
	s0 =	simm.s32 @p2 $0x1  }
0x17: {  	s4 =	simm.s32 $0x1BF5;
	[smem:$0x3FBB] =	sst s0  }
0x18: {  	s0 =	sld [smem:$0x3F9E];
	_ =	swait.ge [sflag:s4], $0x0  }
0x19: {  	s7 =	sld [smem:$0x3F9F]  }
0x1a: {  	s8 =	sadd.s32 $0xFFFFE003, lr  }
0x1b: {  	s9 =	sadd.s32 $0xFFFFFEF7, lr;
	s5 =	simm.s32 $0xFFFFFFFF;
	p2 =	slt.u32 s8, $0xFFFFF086  }
0x1c: {  	p1 =	slt.u32 s9, $0xF7A;
	s5 =	simm.s32 @!p2 $0x0  }
0x1d: {  	s5 =	simm.s32 @p1 $0x1;
	p0 =	seq.s32 s7, s2  }
0x1e: {  	s7 =	smul.u32 @!p0 $0xF7A, s2;
	p2 =	seq.s32 @!p0 s5, $0x0  }
0x1f: {  	s9 =	smul.u32 $0xF7A, s1;
	s8 =	simm.s32 @!p0 $0x1BF5;
	p2 =	por !p2, p0  }
0x20: {  	[sflag:s8] =	ssyncset.s32 @!p0 $0xFFFFF086;
	s6 =	sadd.s32 @!p0 s3, s7;
	s7 =	simm.s32 @!p0 $0x108  }
0x21: {  	s3 =	sadd.s32 s3, s9;
	s6 =	sadd.s32 @!p0 $0x88, s6;
	s7 =	simm.s32 @p2 $0x1082  }
0x22: {  	[simem:s7], [sflag:s8] =	dma.local @!p0 [hbm:s6], $0xF7A  }
0x23: {  	s9 =	sor.u32 $0xD0000000, s2;
	s6 =	simm.s32 $0x108;
	_ =	swait.ge @!p0 [sflag:s8], $0x0  }
0x24: {  	s3 =	sadd.s32 $0x88, s3;
	s6 =	simm.s32 @!p1 $0x1082;
	[sflag:s4] =	ssyncset.s32 $0xFFFFF086  }
0x25: {  	[simem:s6], [sflag:s4] =	dma.local [hbm:s3], $0xF7A  }
0x26: {  	[smem:$0x3F9F] =	sst s1;
	(tag) =	ssettag s2;
	_ =	strace s9  }
0x27: {  	s1 =	sld [smem:$0x3FAF]  }
0x28: {  	s2 =	sld [smem:$0x3FB0]  }
0x29: {  	s4 =	sld [smem:$0x3FB2]  }
0x2a: {  	p0 =	seq.s32 s5, $0x0;
	s5 =	sld [smem:$0x3FB3]  }
0x2b: {  	s6 =	sld [smem:$0x3FB4]  }
0x2c: {  	s7 =	sld [smem:$0x3FB5]  }
0x2d: {  	s3 =	simm.s32 $0x108;
	s8 =	sld [smem:$0x3FB6]  }
0x2e: {  	s3 =	simm.s32 @!p0 $0x1082;
	s9 =	sld [smem:$0x3FB7]  }
0x2f: {  	lr =	sadd.s32 s0, s3;
	s0 =	sld [smem:$0x3FAE]  }
0x30: {  	s3 =	sld [smem:$0x3FB1]  }
0x31: {  	[smem:$0x3FBA] =	sst s10  }
0x32: {  	s10 =	sld [smem:$0x3FB8];
	_ =	sdelay $0x3  }
0x33: {  	p0 =	seq.s32 s10, $0x1;
	s10 =	sld [smem:$0x3FBA];
	_ =	sdelay $0x3  }
0x34: {  	[smem:$0x3FBA] =	sst s10  }
0x35: {  	s10 =	sld [smem:$0x3FB9];
	_ =	sdelay $0x3  }
0x36: {  	p1 =	seq.s32 s10, $0x1;
	s10 =	sld [smem:$0x3FBA];
	_ =	sdelay $0x3  }
0x37: {  	[smem:$0x3FBA] =	sst s10  }
0x38: {  	s10 =	sld [smem:$0x3FBB]  }
0x39: {  	_ = 	snop;
	(pc) =	sbr.ind lr, $3  }
0x3a: {  	_ = 	snop  }
0x3b: {  	_ = 	snop  }
0x3c: {  	p2 =	seq.s32 s10, $0x1;
	s10 =	sld [smem:$0x3FBA]  }
0x3d: {  	_ =	shalt  }
0x3e: {  	_ =	shalt  }
0x3f: {  	_ =	shalt  }
0x40: {  	_ =	shalt  }
0x41: {  	_ =	shalt  }
0x42: {  	_ =	shalt  }
0x43: {  	_ =	shalt  }
0x44: {  	_ =	shalt  }
0x45: {  	_ =	shalt  }
0x46: {  	_ =	shalt  }
0x47: {  	_ =	shalt  }
0x48: {  	_ =	shalt  }
0x49: {  	_ =	shalt  }
0x4a: {  	_ =	shalt  }
0x4b: {  	_ =	shalt  }
0x4c: {  	_ =	shalt  }
0x4d: {  	_ =	shalt  }
0x4e: {  	_ =	shalt  }
0x4f: {  	_ =	shalt  }
0x50: {  	_ =	shalt  }
0x51: {  	_ =	shalt  }
0x52: {  	_ =	shalt  }
0x53: {  	_ =	shalt  }
0x54: {  	_ =	shalt  }
0x55: {  	_ =	shalt  }
0x56: {  	_ =	shalt  }
0x57: {  	_ =	shalt  }
0x58: {  	_ =	shalt  }
0x59: {  	_ =	shalt  }
0x5a: {  	_ =	shalt  }
0x5b: {  	_ =	shalt  }
0x5c: {  	_ =	shalt  }
0x5d: {  	_ =	shalt  }
0x5e: {  	_ =	shalt  }
0x5f: {  	_ =	shalt  }
0x60: {  	_ =	shalt  }
0x61: {  	_ =	shalt  }
0x62: {  	_ =	shalt  }
0x63: {  	_ =	shalt  }
0x64: {  	_ =	shalt  }
0x65: {  	_ =	shalt  }
0x66: {  	_ =	shalt  }
0x67: {  	_ =	shalt  }
0x68: {  	_ =	shalt  }
0x69: {  	_ =	shalt  }
0x6a: {  	_ =	shalt  }
0x6b: {  	_ =	shalt  }
0x6c: {  	_ =	shalt  }
0x6d: {  	_ =	shalt  }
0x6e: {  	_ =	shalt  }
0x6f: {  	_ =	shalt  }
0x70: {  	_ =	shalt  }
0x71: {  	_ =	shalt  }
0x72: {  	_ =	shalt  }
0x73: {  	_ =	shalt  }
0x74: {  	_ =	shalt  }
0x75: {  	_ =	shalt  }
0x76: {  	_ =	shalt  }
0x77: {  	_ =	shalt  }
0x78: {  	_ =	shalt  }
0x79: {  	_ =	shalt  }
0x7a: {  	_ =	shalt  }
0x7b: {  	_ =	shalt  }
0x7c: {  	_ =	shalt  }
0x7d: {  	_ =	shalt  }
0x7e: {  	_ =	shalt  }
0x7f: {  	_ =	shalt  }
0x80: {  	_ =	shalt  }
0x81: {  	_ =	shalt  }
0x82: {  	_ =	shalt  }
0x83: {  	_ =	shalt  }
0x84: {  	_ =	shalt  }
0x85: {  	_ =	shalt  }
0x86: {  	_ =	shalt  }
0x87: {  	_ =	shalt  }
.Lfunc_end0:
.L_simem_size_0:
called_computation.1_lowered:
.L_overlay_start_0:
0x88: {  	s2 =	sld [smem:$0x3FD9]  }
0x89: {  	s3 =	sld [smem:$0x3FFE];
	_ =	sdelay $0x1  }
0x8a: {  	s1 =	srdreg.scid  }
0x8b: {  	s0 =	sand.u32 $0x1, s1  }
0x8c: {  	s17 =	sshll.u32 s0, $0xA;
	s2 =	sadd.s32 s3, s2  }
0x8d: {  	s2 =	sadd.s32 s2, s17  }
0x8e: {  	[smem:$0x3FC6] =	sst s2  }
0x8f: {  	_ = 	snop  }
0x90: {  	s2 =	sld [smem:$0x3FD0];
	(tm) =	ssettm $0x1  }
0x91: {  	s18 =	sld [smem:$0x3FFB];
	_ =	sdelay $0x3  }
0x92: {  	_ =	strace s18  }
0x93: {  	s3 =	sld [smem:$0x3FFC];
	_ =	sdelay $0x3  }
0x94: {  	_ =	strace s3  }
0x95: {  	s3 =	sld [smem:$0x3FFD];
	_ =	sdelay $0x3  }
0x96: {  	_ =	strace s3  }
0x97: {  	_ =	strace $0x8FFFFFFF  }
0x98: {  	s19 =	sld [smem:$0x3FDB];
	_ =	sdelay $0x1  }
0x99: {  	s4 =	simm.s32 $_scs_section_size  }
0x9a: {  	s5 =	simm.s32 $_size__tile_overlayer_lowered;
	s6 =	simm.s32 $_tile_overlayer_lowered  }
0x9b: {  	s22 =	simm.s32 $0x1BFF;
	s21 =	sshll.u32 s6, $0x1;
	s3 =	sadd.s32 s4, s19  }
0x9c: {  	s7 =	simm.s32 $0x0;
	s20 =	sshll.u32 s5, $0x1;
	s5 =	sadd.s32 s21, s3  }
0x9d: {  	[timem:s7], [sflag:s22] =	dma.local [hbm:s5], s20  }
0x9e: {  	_ =	swait.ge [sflag:s22], s20  }
0x9f: {  	s4 =	ssub.s32 $0x0, s20;
	[sflag:s22] =	ssyncset.done $0x0  }
0xa0: {  	[sflag:s22] =	ssyncadd.s32 s4;
	_ =	sdelay $0x1  }
0xa1: {  	s23 =	simm.s32 $0x1B8B  }
0xa2: {  	_ =	swait.ge [sflag:s23], $0x1  }
0xa3: {  	[sflag:s23] =	ssyncset.done $0x0  }
0xa4: {  	s25 =	simm.s32 $0x1B8E;
	s24 =	sld [smem:$0x3FFE];
	[sflag:s23] =	ssyncadd.s32 $0xFFFFFFFF  }
0xa5: {  	s26 =	simm.s32 $execute0_lowered;
	[smem:$0x3FD2] =	sst s25  }
0xa6: {  	s5 =	sshll.u32 s26, $0x1;
	_ =	strace $0x80000046;
	[dreg:$0x1] =	wrdreg $0xFFFFFFFF  }
0xa7: {  	s28 =	simm.s32 $_size_execute0_lowered;
	s3 =	sadd.s32 s3, s5;
	[dreg:$0x0] =	wrdreg $0x0  }
0xa8: {  	s5 =	sshll.u32 s28, $0x1;
	[dreg:$0x2] =	wrdreg s3  }
0xa9: {  	[dreg:$0x3] =	wrdreg s5  }
0xaa: {  	[dreg:$0x4] =	wrdreg $0xC0  }
0xab: {  	_ =	task [dreg:s7], $0x5FFFF  }
0xac: {  	[dreg:$0x1] =	wrdreg $0xFFFFFFFF  }
0xad: {  	[dreg:$0x0] =	wrdreg $0x60  }
0xae: {  	[dreg:$0x2] =	wrdreg s2  }
0xaf: {  	[dreg:$0x3] =	wrdreg s24  }
0xb0: {  	[dreg:$0x4] =	wrdreg $0x9  }
0xb1: {  	_ =	task.clear_ibuf [dreg:s7], $0x5FFFF;
	_ =	strace $0x90000046  }
0xb2: {  	s29 =	simm.s32 $0x9;
	_ =	strace $0x80000048  }
0xb3: {  	_ =	swait.ge [sflag:s29], $0x1  }
0xb4: {  	[sflag:s29] =	ssyncadd.s32 $0xFFFFFFFF  }
0xb5: {  	_ =	strace $0x90000048  }
0xb6: {  	_ =	sfence  }
0xb7: {  	s30 =	sld [smem:$0x0];
	_ =	sdelay $0x2  }
0xb8: {  	s31 =	sshll.u32 s1, $0xD;
	s1 =	sshrl.u32 s1, $0x2  }
0xb9: {  	s3 =	sand.u32 $0x4000, s31;
	s1 =	sadd.s32 s1, s30  }
0xba: {  	s0 =	sor.u32 s3, s0;
	s1 =	sshll.u32 s1, $0x11  }
0xbb: {  	s0 =	sor.u32 s1, s0  }
0xbc: {  	s0 =	sadd.s32 $0x8F2B, s0  }
0xbd: {  	[sflag:s0] =	ssyncadd.remote.s32 $0x1  }
0xbe: {  	_ =	sfence.sel $0xFFFF  }
0xbf: {  	[dreg:$0x0] =	wrdreg $0xFFFFFFFF;
	(pc) =	sbr.abs _section_cstart, $3  }
0xc0: {  	[dreg:$0x1] =	wrdreg $0xFFFFFFFF  }
0xc1: {  	_ =	task.clear_ibuf [dreg:s7], $0x2FFFF;
	_ =	strace $0x9FFFFFFF  }
0xc2: {  	(tm) =	ssettm $0x7FFFFFFF  }
0xc3: {  	_ =	shalt  }
tec
execute0_lowered:
.L_overlay_start_1:
0x0: {  	(tag) =	ssettag $0x1  }
0x1: {  	s0 =	rddreg [dreg:$0x0]  }
0x2: {  	s1 =	rddreg [dreg:$0x1]  }
0x3: {  	s2 =	simm.s32 $0x0;
	s22 =	srdreg.scid;
	s4 =	stileid.u32  }
0x4: {  	s8 =	simm.s32 $0x32;
	s28 =	simm.s32 $0xF980;
	s29 =	simm.s32 $0x10600  }
0x5: {  	s30 =	simm.s32 $0x11280;
	s31 =	simm.s32 $0x11F00;
	s10 =	simm.s32 $0x40  }
0x6: {  	s12 =	simm.s32 $0x80;
	s14 =	simm.s32 $0x2;
	s13 =	simm.s32 $0x7000  }
0x7: {  	s15 =	simm.s32 $0x7C80;
	s17 =	simm.s32 $0x8900;
	s19 =	simm.s32 $0x9580  }
0x8: {  	s21 =	simm.s32 $0xA200;
	[smem:$0x7FF] =	sst s2;
	s2 =	sand.u32 $0x1, s22  }
0x9: {  	s3 =	smul.u32 $0xE0000, s4;
	s4 =	sshll.u32 s4, $0xA;
	_ =	strace $0x80000047  }
0xa: {  	s5 =	sshll.u32 s2, $0x9;
	s6 =	ssub.s32 $0x2, s2;
	s2 =	smul.u32 $0x70000, s2  }
0xb: {  	s4 =	sor.u32 s5, s4;
	s23 =	sadd.s32 s3, s1;
	s7 =	sshrl.u32 s6, $0x1  }
0xc: {  	s3 =	sadd.s32 $0xF42E00, s1;
	s1 =	simm.s32 $0x1;
	s4 =	smul.u32 $0x7, s4  }
0xd: {  	s24 =	ssub.s32 s6, s7;
	s2 =	sadd.s32 s2, s23;
	s7 =	simm.s32 $0x3  }
0xe: {  	s23 =	simm.s32 $0xAE80;
	s25 =	smax.u32 s24, $0x1;
	s26 =	sadd.s32 $0xA00, s2  }
0xf: {  	s24 =	simm.s32 $0xD400;
	s0 =	sadd.s32 s0, s4;
	[dreg:$0x4] =	wrdreg s25  }
0x10: {  	[dreg:$0x5] =	wrdreg s26;
	s25 =	simm.s32 $0xE080;
	s26 =	simm.s32 $0xED00  }
0x11: {  	s4 =	simm.s32 $0x0;
	[dreg:$0x3] =	wrdreg s0;
	s0 =	simm.s32 $0x12B80  }
.LBB2_1:
0x12: {  	[dreg:$0x6] =	wrdreg s4  }
0x13: {  	s2 =	simm.s32 $0x0;
	s6 =	rddreg [dreg:$0x3]  }
0x14: {  	[tilespmem:s2], [sflag:$0x3] =	stream.linear.gather [hbm4b:s6+s2], $0x7000, $0x38;
	[tilespmem:$0x13800] =	vst v63  }
0x15: {  	_ =	swait.ge [sflag:s7], $0x7000  }
0x16: {  	[sflag:s7] =	ssyncset.done $0x0  }
0x17: {  	s5 =	simm.s32 $0x7000;
	[sflag:s7] =	ssyncadd.s32 $0xFFFF9000  }
0x18: {  	[tilespmem:s5], [sflag:$0x1] =	stream.indirect.gather [hbm4b:s3+s8], $0x40, s2, s8, $0xb8;
	[tilespmem:$0x13800] =	vst v63  }
0x19: {  	s9 =	simm.s32 $0x38;
	s6 =	simm.s32 $0x7C80  }
0x1a: {  	[tilespmem:s6], [sflag:$0x1] =	stream.indirect.gather [hbm4b:s3+s8], $0x40, s9, s8, $0xb8;
	[tilespmem:$0x13800] =	vst v63  }
0x1b: {  	s11 =	simm.s32 $0x70;
	s9 =	simm.s32 $0x8900  }
0x1c: {  	[tilespmem:s9], [sflag:$0x1] =	stream.indirect.gather [hbm4b:s3+s8], $0x40, s11, s8, $0xb8;
	[tilespmem:$0x13800] =	vst v63  }
0x1d: {  	s16 =	simm.s32 $0xA8;
	s11 =	simm.s32 $0x9580  }
0x1e: {  	[tilespmem:s11], [sflag:$0x1] =	stream.indirect.gather [hbm4b:s3+s8], $0x40, s16, s8, $0xb8;
	[tilespmem:$0x13800] =	vst v63  }
0x1f: {  	s18 =	simm.s32 $0xE0;
	s16 =	simm.s32 $0xA200  }
0x20: {  	[tilespmem:s16], [sflag:$0x1] =	stream.indirect.gather [hbm4b:s3+s8], $0x40, s18, s8, $0xb8;
	[tilespmem:$0x13800] =	vst v63  }
0x21: {  	s20 =	simm.s32 $0x118;
	s18 =	simm.s32 $0xAE80  }
0x22: {  	[tilespmem:s18], [sflag:$0x1] =	stream.indirect.gather [hbm4b:s3+s8], $0x40, s20, s8, $0xb8;
	[tilespmem:$0x13800] =	vst v63  }
0x23: {  	s22 =	simm.s32 $0x150;
	s20 =	simm.s32 $0xBB00  }
0x24: {  	[tilespmem:s20], [sflag:$0x1] =	stream.indirect.gather [hbm4b:s3+s8], $0x40, s22, s8, $0xb8;
	[tilespmem:$0x13800] =	vst v63  }
0x25: {  	s4 =	simm.s32 $0x188;
	s22 =	simm.s32 $0xC780  }
0x26: {  	[tilespmem:s22], [sflag:$0x1] =	stream.indirect.gather [hbm4b:s3+s8], $0x40, s4, s8, $0xb8;
	[tilespmem:$0x13800] =	vst v63  }
0x27: {  	s4 =	simm.s32 $0x1C0  }
0x28: {  	[tilespmem:s24], [sflag:$0x2] =	stream.indirect.gather [hbm4b:s3+s8], $0x40, s4, s8, $0xb8;
	[tilespmem:$0x13800] =	vst v63  }
0x29: {  	s4 =	simm.s32 $0x1F8  }
0x2a: {  	[tilespmem:s25], [sflag:$0x2] =	stream.indirect.gather [hbm4b:s3+s8], $0x40, s4, s8, $0xb8;
	[tilespmem:$0x13800] =	vst v63  }
0x2b: {  	s4 =	simm.s32 $0x230  }
0x2c: {  	[tilespmem:s26], [sflag:$0x2] =	stream.indirect.gather [hbm4b:s3+s8], $0x40, s4, s8, $0xb8;
	[tilespmem:$0x13800] =	vst v63  }
0x2d: {  	s4 =	simm.s32 $0x268  }
0x2e: {  	[tilespmem:s28], [sflag:$0x2] =	stream.indirect.gather [hbm4b:s3+s8], $0x40, s4, s8, $0xb8;
	[tilespmem:$0x13800] =	vst v63  }
0x2f: {  	s4 =	simm.s32 $0x2A0  }
0x30: {  	[tilespmem:s29], [sflag:$0x2] =	stream.indirect.gather [hbm4b:s3+s8], $0x40, s4, s8, $0xb8;
	[tilespmem:$0x13800] =	vst v63  }
0x31: {  	s4 =	simm.s32 $0x2D8  }
0x32: {  	[tilespmem:s30], [sflag:$0x2] =	stream.indirect.gather [hbm4b:s3+s8], $0x40, s4, s8, $0xb8;
	[tilespmem:$0x13800] =	vst v63  }
0x33: {  	s4 =	simm.s32 $0x310  }
0x34: {  	[tilespmem:s31], [sflag:$0x2] =	stream.indirect.gather [hbm4b:s3+s8], $0x40, s4, s8, $0xb8;
	[tilespmem:$0x13800] =	vst v63  }
0x35: {  	s4 =	simm.s32 $0x348  }
0x36: {  	[tilespmem:s0], [sflag:$0x2] =	stream.indirect.gather [hbm4b:s3+s8], $0x40, s4, s8, $0xb8;
	[tilespmem:$0x13800] =	vst v63  }
0x37: {  	_ =	swait.ge [sflag:s1], $0xC80  }
0x38: {  	[sflag:s1] =	ssyncset.done $0x0  }
0x39: {  	[sflag:s1] =	ssyncadd.s32 $0xFFFFF380  }
0x3a: {  	_ =	swait.ge [sflag:s1], $0xC80  }
0x3b: {  	[sflag:s1] =	ssyncset.done $0x0  }
0x3c: {  	[sflag:s1] =	ssyncadd.s32 $0xFFFFF380  }
0x3d: {  	_ =	swait.ge [sflag:s1], $0xC80  }
0x3e: {  	[sflag:s1] =	ssyncset.done $0x0  }
0x3f: {  	[sflag:s1] =	ssyncadd.s32 $0xFFFFF380  }
0x40: {  	_ =	swait.ge [sflag:s1], $0xC80  }
0x41: {  	[sflag:s1] =	ssyncset.done $0x0  }
0x42: {  	[sflag:s1] =	ssyncadd.s32 $0xFFFFF380  }
0x43: {  	_ =	swait.ge [sflag:s1], $0xC80  }
0x44: {  	[sflag:s1] =	ssyncset.done $0x0  }
0x45: {  	[sflag:s1] =	ssyncadd.s32 $0xFFFFF380  }
0x46: {  	_ =	swait.ge [sflag:s1], $0xC80  }
0x47: {  	[sflag:s1] =	ssyncset.done $0x0  }
0x48: {  	[sflag:s1] =	ssyncadd.s32 $0xFFFFF380  }
0x49: {  	_ =	swait.ge [sflag:s1], $0xC80  }
0x4a: {  	[sflag:s1] =	ssyncset.done $0x0  }
0x4b: {  	[sflag:s1] =	ssyncadd.s32 $0xFFFFF380  }
0x4c: {  	_ =	swait.ge [sflag:s1], $0xC80  }
0x4d: {  	[sflag:s1] =	ssyncset.done $0x0  }
0x4e: {  	s4 =	rddreg [dreg:$0x5];
	[sflag:s1] =	ssyncadd.s32 $0xFFFFF380  }
0x4f: {  	[hbm4b:s4+s10] =	stream.strided.scatter [tilespmem:s5], [sflag:$0x3], $0xC80, s12, s10, $0x38;
	[tilespmem:$0x13800] =	vst v63  }
0x50: {  	s5 =	sadd.s32 $0x380, s4  }
0x51: {  	[hbm4b:s5+s10] =	stream.strided.scatter [tilespmem:s6], [sflag:$0x3], $0xC80, s12, s10, $0x38;
	[tilespmem:$0x13800] =	vst v63  }
0x52: {  	s6 =	sadd.s32 $0x700, s4  }
0x53: {  	[hbm4b:s6+s10] =	stream.strided.scatter [tilespmem:s9], [sflag:$0x3], $0xC80, s12, s10, $0x38;
	[tilespmem:$0x13800] =	vst v63  }
0x54: {  	s9 =	sadd.s32 $0xA80, s4  }
0x55: {  	[hbm4b:s9+s10] =	stream.strided.scatter [tilespmem:s11], [sflag:$0x3], $0xC80, s12, s10, $0x38;
	[tilespmem:$0x13800] =	vst v63  }
0x56: {  	s11 =	sadd.s32 $0xE00, s4  }
0x57: {  	[hbm4b:s11+s10] =	stream.strided.scatter [tilespmem:s16], [sflag:$0x3], $0xC80, s12, s10, $0x38;
	[tilespmem:$0x13800] =	vst v63  }
0x58: {  	s16 =	sadd.s32 $0x1180, s4  }
0x59: {  	[hbm4b:s16+s10] =	stream.strided.scatter [tilespmem:s18], [sflag:$0x3], $0xC80, s12, s10, $0x38;
	[tilespmem:$0x13800] =	vst v63  }
0x5a: {  	s18 =	sadd.s32 $0x1500, s4  }
0x5b: {  	[hbm4b:s18+s10] =	stream.strided.scatter [tilespmem:s20], [sflag:$0x3], $0xC80, s12, s10, $0x38;
	[tilespmem:$0x13800] =	vst v63  }
0x5c: {  	s20 =	sadd.s32 $0x1880, s4  }
0x5d: {  	[hbm4b:s20+s10] =	stream.strided.scatter [tilespmem:s22], [sflag:$0x3], $0xC80, s12, s10, $0x38;
	[tilespmem:$0x13800] =	vst v63  }
0x5e: {  	p0 =	por $0x0, $0x0;
	_ =	swait.ge [sflag:s7], $0x6400  }
0x5f: {  	s2 =	simm.s32 @!p0 $0x7000;
	[sflag:s7] =	ssyncset.done $0x0  }
0x60: {  	s18 =	simm.s32 @!p0 $0x380;
	s20 =	simm.s32 @!p0 $0x32;
	[sflag:s7] =	ssyncadd.s32 $0xFFFF9C00  }
0x61: {  	[tilespmem:s2], [sflag:$0x1] =	stream.indirect.gather @!p0 [hbm4b:s3+s20], $0x40, s18, s20, $0xb8;
	[tilespmem:$0x13800] =	vst v63  }
0x62: {  	s2 =	simm.s32 @!p0 $0x3B8;
	s18 =	simm.s32 @!p0 $0x7C80  }
0x63: {  	[tilespmem:s18], [sflag:$0x1] =	stream.indirect.gather @!p0 [hbm4b:s3+s20], $0x40, s2, s20, $0xb8;
	[tilespmem:$0x13800] =	vst v63  }
0x64: {  	s2 =	simm.s32 @!p0 $0x3F0;
	s18 =	simm.s32 @!p0 $0x8900  }
0x65: {  	[tilespmem:s18], [sflag:$0x1] =	stream.indirect.gather @!p0 [hbm4b:s3+s20], $0x40, s2, s20, $0xb8;
	[tilespmem:$0x13800] =	vst v63  }
0x66: {  	s2 =	simm.s32 @!p0 $0x428;
	s18 =	simm.s32 @!p0 $0x9580  }
0x67: {  	[tilespmem:s18], [sflag:$0x1] =	stream.indirect.gather @!p0 [hbm4b:s3+s20], $0x40, s2, s20, $0xb8;
	[tilespmem:$0x13800] =	vst v63  }
0x68: {  	s2 =	simm.s32 @!p0 $0x460;
	s18 =	simm.s32 @!p0 $0xA200  }
0x69: {  	[tilespmem:s18], [sflag:$0x1] =	stream.indirect.gather @!p0 [hbm4b:s3+s20], $0x40, s2, s20, $0xb8;
	[tilespmem:$0x13800] =	vst v63  }
0x6a: {  	s2 =	simm.s32 @!p0 $0x498;
	s18 =	simm.s32 @!p0 $0xAE80  }
0x6b: {  	[tilespmem:s18], [sflag:$0x1] =	stream.indirect.gather @!p0 [hbm4b:s3+s20], $0x40, s2, s20, $0xb8;
	[tilespmem:$0x13800] =	vst v63  }
0x6c: {  	s2 =	simm.s32 @!p0 $0x4D0;
	s18 =	simm.s32 @!p0 $0xBB00  }
0x6d: {  	[tilespmem:s18], [sflag:$0x1] =	stream.indirect.gather @!p0 [hbm4b:s3+s20], $0x40, s2, s20, $0xb8;
	[tilespmem:$0x13800] =	vst v63  }
0x6e: {  	s2 =	simm.s32 @!p0 $0x508;
	s18 =	simm.s32 @!p0 $0xC780  }
0x6f: {  	[tilespmem:s18], [sflag:$0x1] =	stream.indirect.gather @!p0 [hbm4b:s3+s20], $0x40, s2, s20, $0xb8;
	[tilespmem:$0x13800] =	vst v63  }
0x70: {  	_ =	swait.ge [sflag:s14], $0xC80  }
0x71: {  	[sflag:s14] =	ssyncset.done $0x0  }
0x72: {  	[sflag:s14] =	ssyncadd.s32 $0xFFFFF380  }
0x73: {  	_ =	swait.ge [sflag:s14], $0xC80  }
0x74: {  	[sflag:s14] =	ssyncset.done $0x0  }
0x75: {  	[sflag:s14] =	ssyncadd.s32 $0xFFFFF380  }
0x76: {  	_ =	swait.ge [sflag:s14], $0xC80  }
0x77: {  	[sflag:s14] =	ssyncset.done $0x0  }
0x78: {  	[sflag:s14] =	ssyncadd.s32 $0xFFFFF380  }
0x79: {  	_ =	swait.ge [sflag:s14], $0xC80  }
0x7a: {  	[sflag:s14] =	ssyncset.done $0x0  }
0x7b: {  	[sflag:s14] =	ssyncadd.s32 $0xFFFFF380  }
0x7c: {  	_ =	swait.ge [sflag:s14], $0xC80  }
0x7d: {  	[sflag:s14] =	ssyncset.done $0x0  }
0x7e: {  	[sflag:s14] =	ssyncadd.s32 $0xFFFFF380  }
0x7f: {  	_ =	swait.ge [sflag:s14], $0xC80  }
0x80: {  	[sflag:s14] =	ssyncset.done $0x0  }
0x81: {  	[sflag:s14] =	ssyncadd.s32 $0xFFFFF380  }
0x82: {  	_ =	swait.ge [sflag:s14], $0xC80  }
0x83: {  	[sflag:s14] =	ssyncset.done $0x0  }
0x84: {  	[sflag:s14] =	ssyncadd.s32 $0xFFFFF380  }
0x85: {  	_ =	swait.ge [sflag:s14], $0xC80  }
0x86: {  	[sflag:s14] =	ssyncset.done $0x0  }
0x87: {  	s5 =	sadd.s32 $0x1C00, s4;
	[sflag:s14] =	ssyncadd.s32 $0xFFFFF380  }
0x88: {  	[hbm4b:s5+s10] =	stream.strided.scatter [tilespmem:s24], [sflag:$0x3], $0xC80, s12, s10, $0x38;
	[tilespmem:$0x13800] =	vst v63  }
0x89: {  	s6 =	sadd.s32 $0x1F80, s4  }
0x8a: {  	[hbm4b:s6+s10] =	stream.strided.scatter [tilespmem:s25], [sflag:$0x3], $0xC80, s12, s10, $0x38;
	[tilespmem:$0x13800] =	vst v63  }
0x8b: {  	s9 =	sadd.s32 $0x2300, s4  }
0x8c: {  	[hbm4b:s9+s10] =	stream.strided.scatter [tilespmem:s26], [sflag:$0x3], $0xC80, s12, s10, $0x38;
	[tilespmem:$0x13800] =	vst v63  }
0x8d: {  	s11 =	sadd.s32 $0x2680, s4  }
0x8e: {  	[hbm4b:s11+s10] =	stream.strided.scatter [tilespmem:s28], [sflag:$0x3], $0xC80, s12, s10, $0x38;
	[tilespmem:$0x13800] =	vst v63  }
0x8f: {  	s16 =	sadd.s32 $0x2A00, s4  }
0x90: {  	[hbm4b:s16+s10] =	stream.strided.scatter [tilespmem:s29], [sflag:$0x3], $0xC80, s12, s10, $0x38;
	[tilespmem:$0x13800] =	vst v63  }
0x91: {  	s18 =	sadd.s32 $0x2D80, s4  }
0x92: {  	[hbm4b:s18+s10] =	stream.strided.scatter [tilespmem:s30], [sflag:$0x3], $0xC80, s12, s10, $0x38;
	[tilespmem:$0x13800] =	vst v63  }
0x93: {  	s20 =	sadd.s32 $0x3100, s4  }
0x94: {  	[hbm4b:s20+s10] =	stream.strided.scatter [tilespmem:s31], [sflag:$0x3], $0xC80, s12, s10, $0x38;
	[tilespmem:$0x13800] =	vst v63  }
0x95: {  	s22 =	sadd.s32 $0x3480, s4  }
0x96: {  	[hbm4b:s22+s10] =	stream.strided.scatter [tilespmem:s0], [sflag:$0x3], $0xC80, s12, s10, $0x38;
	[tilespmem:$0x13800] =	vst v63  }
0x97: {  	s18 =	sadd.s32 $0x3800, s4;
	_ =	swait.ge [sflag:s7], $0x6400  }
0x98: {  	s20 =	simm.s32 $0xE00;
	s22 =	simm.s32 $0x1C00;
	[sflag:s7] =	ssyncset.done $0x0  }
.LBB2_2:
0x99: {  	s4 =	sshra.s32 s20, $0x2  }
0x9a: {  	[sflag:s7] =	ssyncadd.s32 $0xFFFF9C00;
	s2 =	smov.u32 s22;
	s22 =	sadd.s32 $0xE00, s22  }
0x9b: {  	p0 =	sne.s32 s22, $0x1C000;
	s5 =	sadd.s32 $0x1C0, s4  }
0x9c: {  	[tilespmem:s24], [sflag:$0x2] =	stream.indirect.gather [hbm4b:s3+s8], $0x40, s5, s8, $0xb8;
	[tilespmem:$0x13800] =	vst v63  }
0x9d: {  	s5 =	sadd.s32 $0x1F8, s4  }
0x9e: {  	[tilespmem:s25], [sflag:$0x2] =	stream.indirect.gather [hbm4b:s3+s8], $0x40, s5, s8, $0xb8;
	[tilespmem:$0x13800] =	vst v63  }
0x9f: {  	s5 =	sadd.s32 $0x230, s4  }
0xa0: {  	[tilespmem:s26], [sflag:$0x2] =	stream.indirect.gather [hbm4b:s3+s8], $0x40, s5, s8, $0xb8;
	[tilespmem:$0x13800] =	vst v63  }
0xa1: {  	s5 =	sadd.s32 $0x268, s4  }
0xa2: {  	[tilespmem:s28], [sflag:$0x2] =	stream.indirect.gather [hbm4b:s3+s8], $0x40, s5, s8, $0xb8;
	[tilespmem:$0x13800] =	vst v63  }
0xa3: {  	s5 =	sadd.s32 $0x2A0, s4  }
0xa4: {  	[tilespmem:s29], [sflag:$0x2] =	stream.indirect.gather [hbm4b:s3+s8], $0x40, s5, s8, $0xb8;
	[tilespmem:$0x13800] =	vst v63  }
0xa5: {  	s5 =	sadd.s32 $0x2D8, s4  }
0xa6: {  	[tilespmem:s30], [sflag:$0x2] =	stream.indirect.gather [hbm4b:s3+s8], $0x40, s5, s8, $0xb8;
	[tilespmem:$0x13800] =	vst v63  }
0xa7: {  	s5 =	sadd.s32 $0x310, s4  }
0xa8: {  	[tilespmem:s31], [sflag:$0x2] =	stream.indirect.gather [hbm4b:s3+s8], $0x40, s5, s8, $0xb8;
	[tilespmem:$0x13800] =	vst v63  }
0xa9: {  	s4 =	sadd.s32 $0x348, s4  }
0xaa: {  	[tilespmem:s0], [sflag:$0x2] =	stream.indirect.gather [hbm4b:s3+s8], $0x40, s4, s8, $0xb8;
	[tilespmem:$0x13800] =	vst v63  }
0xab: {  	_ =	swait.ge [sflag:s1], $0xC80  }
0xac: {  	[sflag:s1] =	ssyncset.done $0x0  }
0xad: {  	[sflag:s1] =	ssyncadd.s32 $0xFFFFF380  }
0xae: {  	_ =	swait.ge [sflag:s1], $0xC80  }
0xaf: {  	[sflag:s1] =	ssyncset.done $0x0  }
0xb0: {  	[sflag:s1] =	ssyncadd.s32 $0xFFFFF380  }
0xb1: {  	_ =	swait.ge [sflag:s1], $0xC80  }
0xb2: {  	[sflag:s1] =	ssyncset.done $0x0  }
0xb3: {  	[sflag:s1] =	ssyncadd.s32 $0xFFFFF380  }
0xb4: {  	_ =	swait.ge [sflag:s1], $0xC80  }
0xb5: {  	[sflag:s1] =	ssyncset.done $0x0  }
0xb6: {  	[sflag:s1] =	ssyncadd.s32 $0xFFFFF380  }
0xb7: {  	_ =	swait.ge [sflag:s1], $0xC80  }
0xb8: {  	[sflag:s1] =	ssyncset.done $0x0  }
0xb9: {  	[sflag:s1] =	ssyncadd.s32 $0xFFFFF380  }
0xba: {  	_ =	swait.ge [sflag:s1], $0xC80  }
0xbb: {  	[sflag:s1] =	ssyncset.done $0x0  }
0xbc: {  	[sflag:s1] =	ssyncadd.s32 $0xFFFFF380  }
0xbd: {  	_ =	swait.ge [sflag:s1], $0xC80  }
0xbe: {  	[sflag:s1] =	ssyncset.done $0x0  }
0xbf: {  	[sflag:s1] =	ssyncadd.s32 $0xFFFFF380  }
0xc0: {  	_ =	swait.ge [sflag:s1], $0xC80  }
0xc1: {  	[sflag:s1] =	ssyncset.done $0x0  }
0xc2: {  	[sflag:s1] =	ssyncadd.s32 $0xFFFFF380  }
0xc3: {  	[hbm4b:s18+s10] =	stream.strided.scatter [tilespmem:s13], [sflag:$0x3], $0xC80, s12, s10, $0x38;
	[tilespmem:$0x13800] =	vst v63  }
0xc4: {  	s4 =	sadd.s32 $0x380, s18  }
0xc5: {  	[hbm4b:s4+s10] =	stream.strided.scatter [tilespmem:s15], [sflag:$0x3], $0xC80, s12, s10, $0x38;
	[tilespmem:$0x13800] =	vst v63  }
0xc6: {  	s4 =	sadd.s32 $0x700, s18  }
0xc7: {  	[hbm4b:s4+s10] =	stream.strided.scatter [tilespmem:s17], [sflag:$0x3], $0xC80, s12, s10, $0x38;
	[tilespmem:$0x13800] =	vst v63  }
0xc8: {  	s4 =	sadd.s32 $0xA80, s18  }
0xc9: {  	[hbm4b:s4+s10] =	stream.strided.scatter [tilespmem:s19], [sflag:$0x3], $0xC80, s12, s10, $0x38;
	[tilespmem:$0x13800] =	vst v63  }
0xca: {  	s4 =	sadd.s32 $0xE00, s18  }
0xcb: {  	[hbm4b:s4+s10] =	stream.strided.scatter [tilespmem:s21], [sflag:$0x3], $0xC80, s12, s10, $0x38;
	[tilespmem:$0x13800] =	vst v63  }
0xcc: {  	s4 =	sadd.s32 $0x1180, s18  }
0xcd: {  	[hbm4b:s4+s10] =	stream.strided.scatter [tilespmem:s23], [sflag:$0x3], $0xC80, s12, s10, $0x38;
	[tilespmem:$0x13800] =	vst v63  }
0xce: {  	s5 =	simm.s32 $0xBB00;
	s4 =	sadd.s32 $0x1500, s18  }
0xcf: {  	[hbm4b:s4+s10] =	stream.strided.scatter [tilespmem:s5], [sflag:$0x3], $0xC80, s12, s10, $0x38;
	[tilespmem:$0x13800] =	vst v63  }
0xd0: {  	s4 =	sadd.s32 $0x1880, s18;
	s5 =	simm.s32 $0xC780  }
0xd1: {  	[hbm4b:s4+s10] =	stream.strided.scatter [tilespmem:s5], [sflag:$0x3], $0xC80, s12, s10, $0x38;
	[tilespmem:$0x13800] =	vst v63  }
0xd2: {  	p1 =	seq.s32 s20, $0x1B200;
	_ =	swait.ge [sflag:s7], $0x6400  }
0xd3: {  	s4 =	sshra.s32 @!p1 s20, $0x2;
	s5 =	simm.s32 @!p1 $0x7000;
	[sflag:s7] =	ssyncset.done $0x0  }
0xd4: {  	s16 =	simm.s32 @!p1 $0x32;
	s20 =	sadd.s32 @!p1 $0x380, s4;
	[sflag:s7] =	ssyncadd.s32 $0xFFFF9C00  }
0xd5: {  	[tilespmem:s5], [sflag:$0x1] =	stream.indirect.gather @!p1 [hbm4b:s3+s16], $0x40, s20, s16, $0xb8;
	[tilespmem:$0x13800] =	vst v63  }
0xd6: {  	s6 =	sadd.s32 @!p1 $0x3F0, s4;
	s5 =	sadd.s32 @!p1 $0x3B8, s4;
	s20 =	simm.s32 @!p1 $0x7C80  }
0xd7: {  	[tilespmem:s20], [sflag:$0x1] =	stream.indirect.gather @!p1 [hbm4b:s3+s16], $0x40, s5, s16, $0xb8;
	[tilespmem:$0x13800] =	vst v63  }
0xd8: {  	s9 =	sadd.s32 @!p1 $0x460, s4;
	s5 =	simm.s32 @!p1 $0x8900;
	s20 =	sadd.s32 @!p1 $0x428, s4  }
0xd9: {  	[tilespmem:s5], [sflag:$0x1] =	stream.indirect.gather @!p1 [hbm4b:s3+s16], $0x40, s6, s16, $0xb8;
	[tilespmem:$0x13800] =	vst v63  }
0xda: {  	s11 =	sadd.s32 @!p1 $0x4D0, s4;
	s5 =	simm.s32 @!p1 $0x9580;
	s6 =	sadd.s32 @!p1 $0x498, s4  }
0xdb: {  	[tilespmem:s5], [sflag:$0x1] =	stream.indirect.gather @!p1 [hbm4b:s3+s16], $0x40, s20, s16, $0xb8;
	[tilespmem:$0x13800] =	vst v63  }
0xdc: {  	s4 =	sadd.s32 @!p1 $0x508, s4;
	s5 =	simm.s32 @!p1 $0xA200;
	s20 =	smov.u32 s2  }
0xdd: {  	[tilespmem:s5], [sflag:$0x1] =	stream.indirect.gather @!p1 [hbm4b:s3+s16], $0x40, s9, s16, $0xb8;
	[tilespmem:$0x13800] =	vst v63  }
0xde: {  	s2 =	simm.s32 @!p1 $0xAE80  }
0xdf: {  	[tilespmem:s2], [sflag:$0x1] =	stream.indirect.gather @!p1 [hbm4b:s3+s16], $0x40, s6, s16, $0xb8;
	[tilespmem:$0x13800] =	vst v63  }
0xe0: {  	s2 =	simm.s32 @!p1 $0xBB00  }
0xe1: {  	[tilespmem:s2], [sflag:$0x1] =	stream.indirect.gather @!p1 [hbm4b:s3+s16], $0x40, s11, s16, $0xb8;
	[tilespmem:$0x13800] =	vst v63  }
0xe2: {  	s2 =	simm.s32 @!p1 $0xC780  }
0xe3: {  	[tilespmem:s2], [sflag:$0x1] =	stream.indirect.gather @!p1 [hbm4b:s3+s16], $0x40, s4, s16, $0xb8;
	[tilespmem:$0x13800] =	vst v63  }
0xe4: {  	_ =	swait.ge [sflag:s14], $0xC80  }
0xe5: {  	[sflag:s14] =	ssyncset.done $0x0  }
0xe6: {  	[sflag:s14] =	ssyncadd.s32 $0xFFFFF380  }
0xe7: {  	_ =	swait.ge [sflag:s14], $0xC80  }
0xe8: {  	[sflag:s14] =	ssyncset.done $0x0  }
0xe9: {  	[sflag:s14] =	ssyncadd.s32 $0xFFFFF380  }
0xea: {  	_ =	swait.ge [sflag:s14], $0xC80  }
0xeb: {  	[sflag:s14] =	ssyncset.done $0x0  }
0xec: {  	[sflag:s14] =	ssyncadd.s32 $0xFFFFF380  }
0xed: {  	_ =	swait.ge [sflag:s14], $0xC80  }
0xee: {  	[sflag:s14] =	ssyncset.done $0x0  }
0xef: {  	[sflag:s14] =	ssyncadd.s32 $0xFFFFF380  }
0xf0: {  	_ =	swait.ge [sflag:s14], $0xC80  }
0xf1: {  	[sflag:s14] =	ssyncset.done $0x0  }
0xf2: {  	[sflag:s14] =	ssyncadd.s32 $0xFFFFF380  }
0xf3: {  	_ =	swait.ge [sflag:s14], $0xC80  }
0xf4: {  	[sflag:s14] =	ssyncset.done $0x0  }
0xf5: {  	[sflag:s14] =	ssyncadd.s32 $0xFFFFF380  }
0xf6: {  	_ =	swait.ge [sflag:s14], $0xC80  }
0xf7: {  	[sflag:s14] =	ssyncset.done $0x0  }
0xf8: {  	[sflag:s14] =	ssyncadd.s32 $0xFFFFF380  }
0xf9: {  	_ =	swait.ge [sflag:s14], $0xC80  }
0xfa: {  	[sflag:s14] =	ssyncset.done $0x0  }
0xfb: {  	s2 =	sadd.s32 $0x1C00, s18;
	[sflag:s14] =	ssyncadd.s32 $0xFFFFF380  }
0xfc: {  	[hbm4b:s2+s10] =	stream.strided.scatter [tilespmem:s24], [sflag:$0x3], $0xC80, s12, s10, $0x38;
	[tilespmem:$0x13800] =	vst v63  }
0xfd: {  	s2 =	sadd.s32 $0x1F80, s18  }
0xfe: {  	[hbm4b:s2+s10] =	stream.strided.scatter [tilespmem:s25], [sflag:$0x3], $0xC80, s12, s10, $0x38;
	[tilespmem:$0x13800] =	vst v63  }
0xff: {  	s2 =	sadd.s32 $0x2300, s18  }
0x100: {  	[hbm4b:s2+s10] =	stream.strided.scatter [tilespmem:s26], [sflag:$0x3], $0xC80, s12, s10, $0x38;
	[tilespmem:$0x13800] =	vst v63  }
0x101: {  	s2 =	sadd.s32 $0x2680, s18  }
0x102: {  	[hbm4b:s2+s10] =	stream.strided.scatter [tilespmem:s28], [sflag:$0x3], $0xC80, s12, s10, $0x38;
	[tilespmem:$0x13800] =	vst v63  }
0x103: {  	s2 =	sadd.s32 $0x2A00, s18  }
0x104: {  	[hbm4b:s2+s10] =	stream.strided.scatter [tilespmem:s29], [sflag:$0x3], $0xC80, s12, s10, $0x38;
	[tilespmem:$0x13800] =	vst v63  }
0x105: {  	s2 =	sadd.s32 $0x2D80, s18  }
0x106: {  	[hbm4b:s2+s10] =	stream.strided.scatter [tilespmem:s30], [sflag:$0x3], $0xC80, s12, s10, $0x38;
	[tilespmem:$0x13800] =	vst v63  }
0x107: {  	s2 =	sadd.s32 $0x3100, s18  }
0x108: {  	[hbm4b:s2+s10] =	stream.strided.scatter [tilespmem:s31], [sflag:$0x3], $0xC80, s12, s10, $0x38;
	[tilespmem:$0x13800] =	vst v63  }
.Ltmp0:
0x109: {  	_ = 	snop;
	(pc) =	sbr.rel @p0 .LBB2_2-.Ltmp0, $4  }
0x10a: {  	s2 =	sadd.s32 $0x3480, s18  }
0x10b: {  	[hbm4b:s2+s10] =	stream.strided.scatter [tilespmem:s0], [sflag:$0x3], $0xC80, s12, s10, $0x38;
	[tilespmem:$0x13800] =	vst v63  }
0x10c: {  	_ =	swait.ge [sflag:s7], $0x6400  }
0x10d: {  	s18 =	sadd.s32 $0x3800, s18;
	[sflag:s7] =	ssyncset.done $0x0  }
0x10e: {  	s2 =	sshra.s32 s20, $0x2  }
0x10f: {  	[sflag:s7] =	ssyncadd.s32 $0xFFFF9C00;
	s4 =	sadd.s32 $0x1C0, s2  }
0x110: {  	[tilespmem:s24], [sflag:$0x2] =	stream.indirect.gather [hbm4b:s3+s8], $0x40, s4, s8, $0xb8;
	[tilespmem:$0x13800] =	vst v63  }
0x111: {  	s11 =	sadd.s32 $0x1F8, s2  }
0x112: {  	[tilespmem:s25], [sflag:$0x2] =	stream.indirect.gather [hbm4b:s3+s8], $0x40, s11, s8, $0xb8;
	[tilespmem:$0x13800] =	vst v63  }
0x113: {  	s16 =	sadd.s32 $0x230, s2  }
0x114: {  	[tilespmem:s26], [sflag:$0x2] =	stream.indirect.gather [hbm4b:s3+s8], $0x40, s16, s8, $0xb8;
	[tilespmem:$0x13800] =	vst v63  }
0x115: {  	s22 =	sadd.s32 $0x268, s2  }
0x116: {  	[tilespmem:s28], [sflag:$0x2] =	stream.indirect.gather [hbm4b:s3+s8], $0x40, s22, s8, $0xb8;
	[tilespmem:$0x13800] =	vst v63  }
0x117: {  	s5 =	sadd.s32 $0x2A0, s2  }
0x118: {  	[tilespmem:s29], [sflag:$0x2] =	stream.indirect.gather [hbm4b:s3+s8], $0x40, s5, s8, $0xb8;
	[tilespmem:$0x13800] =	vst v63  }
0x119: {  	s6 =	sadd.s32 $0x2D8, s2  }
0x11a: {  	[tilespmem:s30], [sflag:$0x2] =	stream.indirect.gather [hbm4b:s3+s8], $0x40, s6, s8, $0xb8;
	[tilespmem:$0x13800] =	vst v63  }
0x11b: {  	s9 =	sadd.s32 $0x310, s2  }
0x11c: {  	[tilespmem:s31], [sflag:$0x2] =	stream.indirect.gather [hbm4b:s3+s8], $0x40, s9, s8, $0xb8;
	[tilespmem:$0x13800] =	vst v63  }
0x11d: {  	s2 =	sadd.s32 $0x348, s2  }
0x11e: {  	[tilespmem:s0], [sflag:$0x2] =	stream.indirect.gather [hbm4b:s3+s8], $0x40, s2, s8, $0xb8;
	[tilespmem:$0x13800] =	vst v63  }
0x11f: {  	_ =	swait.ge [sflag:s1], $0xC80  }
0x120: {  	[sflag:s1] =	ssyncset.done $0x0  }
0x121: {  	[sflag:s1] =	ssyncadd.s32 $0xFFFFF380  }
0x122: {  	_ =	swait.ge [sflag:s1], $0xC80  }
0x123: {  	[sflag:s1] =	ssyncset.done $0x0  }
0x124: {  	[sflag:s1] =	ssyncadd.s32 $0xFFFFF380  }
0x125: {  	_ =	swait.ge [sflag:s1], $0xC80  }
0x126: {  	[sflag:s1] =	ssyncset.done $0x0  }
0x127: {  	[sflag:s1] =	ssyncadd.s32 $0xFFFFF380  }
0x128: {  	_ =	swait.ge [sflag:s1], $0xC80  }
0x129: {  	[sflag:s1] =	ssyncset.done $0x0  }
0x12a: {  	[sflag:s1] =	ssyncadd.s32 $0xFFFFF380  }
0x12b: {  	_ =	swait.ge [sflag:s1], $0xC80  }
0x12c: {  	[sflag:s1] =	ssyncset.done $0x0  }
0x12d: {  	[sflag:s1] =	ssyncadd.s32 $0xFFFFF380  }
0x12e: {  	_ =	swait.ge [sflag:s1], $0xC80  }
0x12f: {  	[sflag:s1] =	ssyncset.done $0x0  }
0x130: {  	[sflag:s1] =	ssyncadd.s32 $0xFFFFF380  }
0x131: {  	_ =	swait.ge [sflag:s1], $0xC80  }
0x132: {  	[sflag:s1] =	ssyncset.done $0x0  }
0x133: {  	[sflag:s1] =	ssyncadd.s32 $0xFFFFF380  }
0x134: {  	_ =	swait.ge [sflag:s1], $0xC80  }
0x135: {  	[sflag:s1] =	ssyncset.done $0x0  }
0x136: {  	[sflag:s1] =	ssyncadd.s32 $0xFFFFF380  }
0x137: {  	[hbm4b:s18+s10] =	stream.strided.scatter [tilespmem:s13], [sflag:$0x3], $0xC80, s12, s10, $0x38;
	[tilespmem:$0x13800] =	vst v63  }
0x138: {  	s11 =	sadd.s32 $0x380, s18  }
0x139: {  	[hbm4b:s11+s10] =	stream.strided.scatter [tilespmem:s15], [sflag:$0x3], $0xC80, s12, s10, $0x38;
	[tilespmem:$0x13800] =	vst v63  }
0x13a: {  	s16 =	sadd.s32 $0x700, s18  }
0x13b: {  	[hbm4b:s16+s10] =	stream.strided.scatter [tilespmem:s17], [sflag:$0x3], $0xC80, s12, s10, $0x38;
	[tilespmem:$0x13800] =	vst v63  }
0x13c: {  	s22 =	sadd.s32 $0xA80, s18  }
0x13d: {  	[hbm4b:s22+s10] =	stream.strided.scatter [tilespmem:s19], [sflag:$0x3], $0xC80, s12, s10, $0x38;
	[tilespmem:$0x13800] =	vst v63  }
0x13e: {  	s4 =	sadd.s32 $0xE00, s18  }
0x13f: {  	[hbm4b:s4+s10] =	stream.strided.scatter [tilespmem:s21], [sflag:$0x3], $0xC80, s12, s10, $0x38;
	[tilespmem:$0x13800] =	vst v63  }
0x140: {  	s5 =	sadd.s32 $0x1180, s18  }
0x141: {  	[hbm4b:s5+s10] =	stream.strided.scatter [tilespmem:s23], [sflag:$0x3], $0xC80, s12, s10, $0x38;
	[tilespmem:$0x13800] =	vst v63  }
0x142: {  	s6 =	sadd.s32 $0x1500, s18;
	s9 =	simm.s32 $0xBB00  }
0x143: {  	[hbm4b:s6+s10] =	stream.strided.scatter [tilespmem:s9], [sflag:$0x3], $0xC80, s12, s10, $0x38;
	[tilespmem:$0x13800] =	vst v63  }
0x144: {  	s11 =	sadd.s32 $0x1880, s18;
	s16 =	simm.s32 $0xC780  }
0x145: {  	[hbm4b:s11+s10] =	stream.strided.scatter [tilespmem:s16], [sflag:$0x3], $0xC80, s12, s10, $0x38;
	[tilespmem:$0x13800] =	vst v63  }
0x146: {  	p0 =	seq.s32 s20, $0x1B200;
	_ =	swait.ge [sflag:s7], $0x6400  }
0x147: {  	s2 =	sshra.s32 @!p0 s20, $0x2;
	s4 =	simm.s32 @!p0 $0x7000;
	[sflag:s7] =	ssyncset.done $0x0  }
0x148: {  	s5 =	sadd.s32 @!p0 $0x380, s2;
	s6 =	simm.s32 @!p0 $0x32;
	[sflag:s7] =	ssyncadd.s32 $0xFFFF9C00  }
0x149: {  	[tilespmem:s4], [sflag:$0x1] =	stream.indirect.gather @!p0 [hbm4b:s3+s6], $0x40, s5, s6, $0xb8;
	[tilespmem:$0x13800] =	vst v63  }
0x14a: {  	s4 =	sadd.s32 @!p0 $0x3B8, s2;
	s5 =	simm.s32 @!p0 $0x7C80  }
0x14b: {  	[tilespmem:s5], [sflag:$0x1] =	stream.indirect.gather @!p0 [hbm4b:s3+s6], $0x40, s4, s6, $0xb8;
	[tilespmem:$0x13800] =	vst v63  }
0x14c: {  	s4 =	sadd.s32 @!p0 $0x3F0, s2;
	s5 =	simm.s32 @!p0 $0x8900  }
0x14d: {  	[tilespmem:s5], [sflag:$0x1] =	stream.indirect.gather @!p0 [hbm4b:s3+s6], $0x40, s4, s6, $0xb8;
	[tilespmem:$0x13800] =	vst v63  }
0x14e: {  	s4 =	sadd.s32 @!p0 $0x428, s2;
	s5 =	simm.s32 @!p0 $0x9580  }
0x14f: {  	[tilespmem:s5], [sflag:$0x1] =	stream.indirect.gather @!p0 [hbm4b:s3+s6], $0x40, s4, s6, $0xb8;
	[tilespmem:$0x13800] =	vst v63  }
0x150: {  	s4 =	sadd.s32 @!p0 $0x460, s2;
	s5 =	simm.s32 @!p0 $0xA200  }
0x151: {  	[tilespmem:s5], [sflag:$0x1] =	stream.indirect.gather @!p0 [hbm4b:s3+s6], $0x40, s4, s6, $0xb8;
	[tilespmem:$0x13800] =	vst v63  }
0x152: {  	s4 =	sadd.s32 @!p0 $0x498, s2;
	s5 =	simm.s32 @!p0 $0xAE80  }
0x153: {  	[tilespmem:s5], [sflag:$0x1] =	stream.indirect.gather @!p0 [hbm4b:s3+s6], $0x40, s4, s6, $0xb8;
	[tilespmem:$0x13800] =	vst v63  }
0x154: {  	s4 =	sadd.s32 @!p0 $0x4D0, s2;
	s5 =	simm.s32 @!p0 $0xBB00  }
0x155: {  	[tilespmem:s5], [sflag:$0x1] =	stream.indirect.gather @!p0 [hbm4b:s3+s6], $0x40, s4, s6, $0xb8;
	[tilespmem:$0x13800] =	vst v63  }
0x156: {  	s2 =	sadd.s32 @!p0 $0x508, s2;
	s4 =	simm.s32 @!p0 $0xC780  }
0x157: {  	[tilespmem:s4], [sflag:$0x1] =	stream.indirect.gather @!p0 [hbm4b:s3+s6], $0x40, s2, s6, $0xb8;
	[tilespmem:$0x13800] =	vst v63  }
0x158: {  	_ =	swait.ge [sflag:s14], $0xC80  }
0x159: {  	[sflag:s14] =	ssyncset.done $0x0  }
0x15a: {  	[sflag:s14] =	ssyncadd.s32 $0xFFFFF380  }
0x15b: {  	_ =	swait.ge [sflag:s14], $0xC80  }
0x15c: {  	[sflag:s14] =	ssyncset.done $0x0  }
0x15d: {  	[sflag:s14] =	ssyncadd.s32 $0xFFFFF380  }
0x15e: {  	_ =	swait.ge [sflag:s14], $0xC80  }
0x15f: {  	[sflag:s14] =	ssyncset.done $0x0  }
0x160: {  	[sflag:s14] =	ssyncadd.s32 $0xFFFFF380  }
0x161: {  	_ =	swait.ge [sflag:s14], $0xC80  }
0x162: {  	[sflag:s14] =	ssyncset.done $0x0  }
0x163: {  	[sflag:s14] =	ssyncadd.s32 $0xFFFFF380  }
0x164: {  	_ =	swait.ge [sflag:s14], $0xC80  }
0x165: {  	[sflag:s14] =	ssyncset.done $0x0  }
0x166: {  	[sflag:s14] =	ssyncadd.s32 $0xFFFFF380  }
0x167: {  	_ =	swait.ge [sflag:s14], $0xC80  }
0x168: {  	[sflag:s14] =	ssyncset.done $0x0  }
0x169: {  	[sflag:s14] =	ssyncadd.s32 $0xFFFFF380  }
0x16a: {  	_ =	swait.ge [sflag:s14], $0xC80  }
0x16b: {  	[sflag:s14] =	ssyncset.done $0x0  }
0x16c: {  	[sflag:s14] =	ssyncadd.s32 $0xFFFFF380  }
0x16d: {  	_ =	swait.ge [sflag:s14], $0xC80  }
0x16e: {  	[sflag:s14] =	ssyncset.done $0x0  }
0x16f: {  	s22 =	sadd.s32 $0x1C00, s18;
	[sflag:s14] =	ssyncadd.s32 $0xFFFFF380  }
0x170: {  	[hbm4b:s22+s10] =	stream.strided.scatter [tilespmem:s24], [sflag:$0x3], $0xC80, s12, s10, $0x38;
	[tilespmem:$0x13800] =	vst v63  }
0x171: {  	s4 =	sadd.s32 $0x1F80, s18  }
0x172: {  	[hbm4b:s4+s10] =	stream.strided.scatter [tilespmem:s25], [sflag:$0x3], $0xC80, s12, s10, $0x38;
	[tilespmem:$0x13800] =	vst v63  }
0x173: {  	s5 =	sadd.s32 $0x2300, s18  }
0x174: {  	[hbm4b:s5+s10] =	stream.strided.scatter [tilespmem:s26], [sflag:$0x3], $0xC80, s12, s10, $0x38;
	[tilespmem:$0x13800] =	vst v63  }
0x175: {  	s6 =	sadd.s32 $0x2680, s18  }
0x176: {  	[hbm4b:s6+s10] =	stream.strided.scatter [tilespmem:s28], [sflag:$0x3], $0xC80, s12, s10, $0x38;
	[tilespmem:$0x13800] =	vst v63  }
0x177: {  	s9 =	sadd.s32 $0x2A00, s18  }
0x178: {  	[hbm4b:s9+s10] =	stream.strided.scatter [tilespmem:s29], [sflag:$0x3], $0xC80, s12, s10, $0x38;
	[tilespmem:$0x13800] =	vst v63  }
0x179: {  	s11 =	sadd.s32 $0x2D80, s18  }
0x17a: {  	[hbm4b:s11+s10] =	stream.strided.scatter [tilespmem:s30], [sflag:$0x3], $0xC80, s12, s10, $0x38;
	[tilespmem:$0x13800] =	vst v63  }
0x17b: {  	s16 =	sadd.s32 $0x3100, s18  }
0x17c: {  	[hbm4b:s16+s10] =	stream.strided.scatter [tilespmem:s31], [sflag:$0x3], $0xC80, s12, s10, $0x38;
	[tilespmem:$0x13800] =	vst v63  }
0x17d: {  	s18 =	sadd.s32 $0x3480, s18  }
0x17e: {  	[hbm4b:s18+s10] =	stream.strided.scatter [tilespmem:s0], [sflag:$0x3], $0xC80, s12, s10, $0x38;
	[tilespmem:$0x13800] =	vst v63  }
0x17f: {  	_ =	swait.ge [sflag:s7], $0x6400  }
0x180: {  	s20 =	rddreg [dreg:$0x6]  }
0x181: {  	s22 =	rddreg [dreg:$0x4];
	s4 =	sadd.s32 $0x1, s20  }
0x182: {  	p0 =	sne.s32 s4, s22  }
.Ltmp1:
0x183: {  	_ = 	snop;
	(pc) =	sbr.rel @p0 .LBB2_1-.Ltmp1, $3  }
0x184: {  	_ =	sdelay $0x1  }
0x185: {  	[sflag:s7] =	ssyncset.done $0x0  }
0x186: {  	[sflag:s7] =	ssyncadd.s32 $0xFFFF9C00  }
0x187: {  	_ =	sfence.sel $0x180000  }
0x188: {  	[bflag:$0x0] =	sbarrier.arrive $0xFFFF  }
0x189: {  	_ =	strace $0x90000047  }
0x18a: {  	s0 =	stileid.u32;
	[bflag:$0x2] =	sbarrier.arrive $0xFFFF  }
0x18b: {  	p0 =	sne.s32 s0, $0x0;
	s0 =	rddreg [dreg:$0x2]  }
0x18c: {  	s0 =	sadd.s32 @!p0 $0x100000, s0  }
0x18d: {  	[sflag:s0] =	ssyncadd.tile.s32 @!p0 $0x1;
	_ =	shalt  }
.Lfunc_end2:
_tile_overlayer_lowered:
.L_overlay_start_2:
0x18e: {  	(tag) =	ssettag $0x2  }
0x18f: {  	s0 =	rddreg [dreg:$0x0];
	s2 =	stileid.u32  }
0x190: {  	s1 =	rddreg [dreg:$0x1];
	p0 =	sne.s32 s2, $0x0  }
0x191: {  	s3 =	rddreg [dreg:$0x2];
	[bflag:$0x3] =	sbarrier.arrive $0xFFFF;
	s2 =	simm.s32 @!p0 $0x1C03  }
0x192: {  	[timem:s3], [sflag:s2] =	dma.local @!p0 [hbm:s0], s1  }
0x193: {  	s0 =	simm.s32 @!p0 $0x3  }
0x194: {  	_ =	swait.ge @!p0 [sflag:s0], s1  }
0x195: {  	s1 =	ssub.s32 @!p0 $0x0, s1;
	[sflag:s0] =	ssyncset.done @!p0 $0x0  }
0x196: {  	[sflag:s0] =	ssyncadd.s32 @!p0 s1  }
0x197: {  	[bflag:$0x3] =	sbarrier.arrive $0xFFFF  }
0x198: {  	_ =	shalt  }

// kernel: sparse-core-data-format-call.cloned.1.call-start
scs
called_computation_lowered:
.L_overlay_start_0:
0x0: {  	s2 =	sld [smem:$0x3FD9]  }
0x1: {  	s3 =	sld [smem:$0x3FFE];
	_ =	sdelay $0x1  }
0x2: {  	s1 =	srdreg.scid  }
0x3: {  	s0 =	sand.u32 $0x1, s1  }
0x4: {  	s18 =	sshll.u32 s0, $0xA;
	s2 =	sadd.s32 s3, s2  }
0x5: {  	s2 =	sadd.s32 s2, s18  }
0x6: {  	[smem:$0x3FC6] =	sst s2  }
0x7: {  	_ = 	snop  }
0x8: {  	s2 =	sld [smem:$0x3FD0];
	(tm) =	ssettm $0x1  }
0x9: {  	s19 =	sld [smem:$0x3FFB];
	_ =	sdelay $0x3  }
0xa: {  	_ =	strace s19  }
0xb: {  	s3 =	sld [smem:$0x3FFC];
	_ =	sdelay $0x3  }
0xc: {  	_ =	strace s3  }
0xd: {  	s3 =	sld [smem:$0x3FFD];
	_ =	sdelay $0x3  }
0xe: {  	_ =	strace s3  }
0xf: {  	_ =	strace $0x8FFFFFFF  }
0x10: {  	s20 =	sld [smem:$0x3FDB];
	_ =	sdelay $0x1  }
0x11: {  	s4 =	simm.s32 $_scs_section_size  }
0x12: {  	s5 =	simm.s32 $_size__tile_overlayer_lowered;
	s6 =	simm.s32 $_tile_overlayer_lowered  }
0x13: {  	s23 =	simm.s32 $0x1BFF;
	s22 =	sshll.u32 s6, $0x1;
	s3 =	sadd.s32 s4, s20  }
0x14: {  	s7 =	simm.s32 $0x0;
	s21 =	sshll.u32 s5, $0x1;
	s5 =	sadd.s32 s22, s3  }
0x15: {  	[timem:s7], [sflag:s23] =	dma.local [hbm:s5], s21  }
0x16: {  	_ =	swait.ge [sflag:s23], s21  }
0x17: {  	s4 =	ssub.s32 $0x0, s21;
	[sflag:s23] =	ssyncset.done $0x0  }
0x18: {  	[sflag:s23] =	ssyncadd.s32 s4;
	_ =	sdelay $0x1  }
0x19: {  	s24 =	simm.s32 $0x1B8B  }
0x1a: {  	_ =	swait.ge [sflag:s24], $0x1  }
0x1b: {  	[sflag:s24] =	ssyncset.done $0x0  }
0x1c: {  	s26 =	simm.s32 $0x1B8E;
	s25 =	sld [smem:$0x3FFE];
	[sflag:s24] =	ssyncadd.s32 $0xFFFFFFFF  }
0x1d: {  	s27 =	simm.s32 $execute0_lowered;
	[smem:$0x3FD2] =	sst s26  }
0x1e: {  	s5 =	sshll.u32 s27, $0x1;
	_ =	strace $0x80000049;
	[dreg:$0x1] =	wrdreg $0xFFFFFFFF  }
0x1f: {  	s28 =	simm.s32 $_size_execute0_lowered;
	s3 =	sadd.s32 s3, s5;
	[dreg:$0x0] =	wrdreg $0x0  }
0x20: {  	s5 =	sshll.u32 s28, $0x1;
	[dreg:$0x2] =	wrdreg s3  }
0x21: {  	[dreg:$0x3] =	wrdreg s5  }
0x22: {  	[dreg:$0x4] =	wrdreg $0xC0  }
0x23: {  	_ =	task [dreg:s7], $0x5FFFF  }
0x24: {  	[dreg:$0x1] =	wrdreg $0xFFFFFFFF  }
0x25: {  	[dreg:$0x0] =	wrdreg $0x60  }
0x26: {  	[dreg:$0x2] =	wrdreg s25  }
0x27: {  	[dreg:$0x3] =	wrdreg s2  }
0x28: {  	[dreg:$0x4] =	wrdreg $0x9  }
0x29: {  	_ =	task.clear_ibuf [dreg:s7], $0x5FFFF;
	_ =	strace $0x90000049  }
0x2a: {  	s29 =	simm.s32 $0x9;
	_ =	strace $0x8000004B  }
0x2b: {  	_ =	swait.ge [sflag:s29], $0x1  }
0x2c: {  	[sflag:s29] =	ssyncadd.s32 $0xFFFFFFFF  }
0x2d: {  	_ =	strace $0x9000004B  }
0x2e: {  	_ =	sfence  }
0x2f: {  	s30 =	sld [smem:$0x0];
	_ =	sdelay $0x2  }
0x30: {  	s31 =	sshll.u32 s1, $0xD;
	s1 =	sshrl.u32 s1, $0x2  }
0x31: {  	s3 =	sand.u32 $0x4000, s31;
	s1 =	sadd.s32 s1, s30  }
0x32: {  	s0 =	sor.u32 s3, s0;
	s1 =	sshll.u32 s1, $0x11  }
0x33: {  	s0 =	sor.u32 s1, s0  }
0x34: {  	s0 =	sadd.s32 $0x8F2B, s0  }
0x35: {  	[sflag:s0] =	ssyncadd.remote.s32 $0x1  }
0x36: {  	_ =	sfence.sel $0xFFFF  }
0x37: {  	[dreg:$0x0] =	wrdreg $0xFFFFFFFF;
	(pc) =	sbr.abs _section_cstart, $3  }
0x38: {  	[dreg:$0x1] =	wrdreg $0xFFFFFFFF  }
0x39: {  	_ =	task.clear_ibuf [dreg:s7], $0x2FFFF;
	_ =	strace $0x9FFFFFFF  }
0x3a: {  	(tm) =	ssettm $0x7FFFFFFF  }
0x3b: {  	_ =	shalt  }
tec
execute0_lowered:
.L_overlay_start_1:
0x0: {  	(tag) =	ssettag $0x1  }
0x1: {  	s0 =	srdreg.scid  }
0x2: {  	s1 =	sshll.u32 s0, $0x4  }
0x3: {  	s0 =	stileid.u32;
	s1 =	sand.u32 $0x10, s1  }
0x4: {  	s1 =	sor.u32 s0, s1  }
0x5: {  	s6 =	rddreg [dreg:$0x0];
	s4 =	simm.s32 $0x1;
	s2 =	sshll.u32 s1, $0x7  }
0x6: {  	s7 =	simm.s32 $0x2;
	s12 =	simm.s32 $0x0;
	s1 =	ssub.s32 $0x4000, s2  }
0x7: {  	s8 =	simm.s32 $0x20000;
	s13 =	simm.s32 $0x0;
	s3 =	sand.u32 $0xF80, s1  }
0x8: {  	s9 =	simm.s32 $0x0;
	s5 =	sshrl.u32 s1, $0xC;
	p0 =	sne.s32 s3, $0x0  }
.Ltmp0:
0x9: {  	s1 =	rddreg [dreg:$0x2];
	s4 =	simm.s32 @!p0 $0x0;
	(pc) =	sbr.rel .LBB1_1-.Ltmp0, $4  }
0xa: {  	s11 =	simm.s32 $0x0;
	s3 =	rddreg [dreg:$0x1];
	s5 =	sadd.s32 s4, s5  }
0xb: {  	_ =	strace $0x8000004A;
	s4 =	simm.s32 $0x1;
	s5 =	smul.u32 $0x32, s5  }
0xc: {  	s6 =	sadd.s32 $0xA00, s6;
	s10 =	smov.u32 s2;
	[sflag:s4] =	ssyncpa.u1 $0x0  }
0xd: {  	p0 =	por $0x0, $0x0;
	[sflag:s7] =	ssyncpa.u1 $0x0;
	s7 =	sor.u32 $0x1, s5  }
.LBB1_4:
0xe: {  	s16 =	sshll.u32 s13, $0x3;
	s17 =	sand.u32 $0x78, s13  }
0xf: {  	s30 =	sand.u32 $0x1F800, s13;
	s12 =	sshll.u32 s12, $0x11;
	s16 =	sand.u32 $0x3C00, s16  }
0x10: {  	[tilespmem:s15+$0x810 ss:$0x81] =	vst.msk $0xffff, v2;
	s31 =	sand.u32 $0x7, s13;
	s16 =	sor.u32 s17, s16;
	s17 =	sadd.s32 s3, s30  }
0x11: {  	[tilespmem:s15+$0x1020 ss:$0x81] =	vst.msk $0xffff, v0;
	s13 =	sshll.u32 s31, $0x12;
	s12 =	sadd.s32 s12, s17;
	s16 =	sshrl.u32 s16, $0x3  }
0x12: {  	[tilespmem:s15+$0x0 ss:$0x81] =	vst.msk $0xffff, v1;
	s13 =	sor.u32 $0x400, s13;
	s12 =	sadd.s32 s16, s12  }
0x13: {  	[hbm4b:s12+s13] =	stream.strided.scatter [tilespmem:s14], [sflag:$0x2], $0x2000, s8, s13, $0x20;
	[tilespmem:$0x8080] =	vst v63  }
.LBB1_5:
0x14: {  	s14 =	sadd.s32 $0x1, s9  }
0x15: {  	s12 =	sadd.s32 $0x1000, s10;
	s16 =	smov.u32 s10;
	p2 =	sgt.s32 s14, $0x31  }
0x16: {  	s16 =	smov.u32 @p2 s12  }
0x17: {  	s14 =	simm.s32 @p2 $0x0;
	p2 =	sgt.s32 s16, $0x3FFF  }
0x18: {  	s16 =	smov.u32 @p2 s2;
	p2 =	sne.s32 s11, s7  }
.Ltmp1:
0x19: {  	p1 =	slt.u32 s11, $0x2;
	(pc) =	sbr.rel @!p2 .LBB1_6-.Ltmp1, $4  }
0x1a: {  	s15 =	simm.s32 @!p1 $0x2  }
0x1b: {  	s13 =	smov.u32 s10;
	p0 =	por !p0, !p0;
	_ =	swait.ge @!p1 [sflag:s15], $0x2000  }
0x1c: {  	s12 =	smov.u32 s9;
	[sflag:s15] =	ssyncset.done @!p1 $0x0;
	s9 =	smov.u32 s14  }
0x1d: {  	s11 =	sadd.s32 $0x1, s11;
	[sflag:s15] =	ssyncadd.s32 @!p1 $0xFFFFE000;
	s10 =	smov.u32 s16  }
.LBB1_1:
0x1e: {  	p1 =	sge.u32 s11, s5  }
0x1f: {  	s14 =	sand.u32 @!p1 $0x1FFFFFF, s9  }
0x20: {  	s15 =	smulhi.u32 @!p1 $0x4924925, s14;
	_ =	sdelay $0x1  }
0x21: {  	s15 =	smul.u32 @!p1 $0x38, s15  }
0x22: {  	s16 =	sxor.u32 @!p1 $0xFFFFFFFF, s11;
	s17 =	smul.u32 @!p1 $0x380, s10  }
0x23: {  	s31 =	sadd.s32 $0xFFFFFFFF, s11;
	s16 =	sshll.u32 @!p1 s16, $0xD;
	s14 =	ssub.s32 @!p1 s14, s15  }
0x24: {  	s15 =	sand.u32 @!p1 $0x2000, s16;
	s16 =	sadd.s32 @!p1 s6, s17;
	s14 =	sshll.u32 @!p1 s14, $0x4  }
0x25: {  	s17 =	simm.s32 @!p1 $0x1C00;
	s14 =	sadd.s32 @!p1 s14, s16;
	s16 =	simm.s32 @!p1 $0x40  }
0x26: {  	[tilespmem:s15], [sflag:$0x1] =	stream.strided.gather @!p1 [hbm4b:s14+s16], $0x2000, s17, s16, $0x38;
	[tilespmem:$0x8080] =	vst v63  }
0x27: {  	p1 =	sge.u32 s31, s5  }
.Ltmp2:
0x28: {  	_ = 	snop;
	(pc) =	sbr.rel @p1 .LBB1_5-.Ltmp2, $1  }
0x29: {  	_ =	sdelay $0x3  }
0x2a: {  	s14 =	simm.s32 $0x1  }
0x2b: {  	_ =	swait.ge [sflag:s4], $0x2000;
	s14 =	simm.s32 @!p0 $0x0  }
0x2c: {  	[sflag:s4] =	ssyncset.done $0x0;
	s15 =	sshll.u32 s14, $0xD  }
0x2d: {  	[sflag:s4] =	ssyncadd.s32 $0xFFFFE000;
	s18 =	sor.u32 $0x20, s15  }
0x2e: {  	s14 =	smul.u32 $0x8100, s14;
	v3 =	vld [tilespmem:s18+$0x10]  }
0x2f: {  	s30 =	sand.u32 $0x1, s11;
	v2 =	vld [tilespmem:s18+$0xFFFFFFF0]  }
0x30: {  	s15 =	smul.u32 $0x8100, s30;
	s14 =	sshrl.u32 s14, $0x2;
	v0 =	vld [tilespmem:s18+$0x0]  }
0x31: {  	v1 =	vld [tilespmem:s18+$0xFFFFFFE0];
	s16 =	sor.u32 $0x4000, s14  }
0x32: {  	s31 =	sshrl.u32 s15, $0x2;
	s15 =	sadd.s32 $0x0, s16  }
0x33: {  	s17 =	simm.s32 $0x4;
	s18 =	sadd.s32 $0x40, s18;
	s14 =	sor.u32 $0x4000, s31;
	[tilespmem:s15+$0x1830 ss:$0x81] =	vst.msk $0xffff, v3  }
.LBB1_3:
0x34: {  	v3 =	vld [tilespmem:s18+$0x10];
	p1 =	sne.s32 s17, $0x1FC;
	[tilespmem:s15+$0x810 ss:$0x81] =	vst.msk $0xffff, v2;
	s19 =	smov.u32 s17;
	s17 =	sadd.s32 $0x4, s17  }
.Ltmp3:
0x35: {  	v2 =	vld [tilespmem:s18+$0xFFFFFFF0];
	[tilespmem:s15+$0x1020 ss:$0x81] =	vst.msk $0xffff, v0;
	(pc) =	sbr.rel @p1 .LBB1_3-.Ltmp3, $4  }
0x36: {  	v0 =	vld [tilespmem:s18+$0x0];
	[tilespmem:s15+$0x0 ss:$0x81] =	vst.msk $0xffff, v1  }
0x37: {  	s15 =	sshra.s32 s19, $0x2;
	v1 =	vld [tilespmem:s18+$0xFFFFFFE0]  }
0x38: {  	s15 =	sadd.s32 s15, s16  }
0x39: {  	s18 =	sadd.s32 $0x40, s18;
	[tilespmem:s15+$0x1830 ss:$0x81] =	vst.msk $0xffff, v3  }
.Ltmp4:
0x3a: {  	_ = 	snop;
	(pc) =	sbr.rel .LBB1_4-.Ltmp4, $1  }
0x3b: {  	_ =	sdelay $0x3  }
.LBB1_6:
0x3c: {  	_ =	sfence.sel $0x180000  }
0x3d: {  	s2 =	simm.s32 $0x1;
	[bflag:$0x0] =	sbarrier.arrive $0xFFFF  }
0x3e: {  	s31 =	simm.s32 $0x2;
	[sflag:s2] =	ssyncpa.u1 $0x1  }
0x3f: {  	[sflag:s31] =	ssyncpa.u1 $0x1  }
0x40: {  	p0 =	sne.s32 s0, $0x0;
	_ =	strace $0x9000004A  }
0x41: {  	s0 =	sadd.s32 @!p0 $0x100000, s1;
	[bflag:$0x2] =	sbarrier.arrive $0xFFFF  }
0x42: {  	[sflag:s0] =	ssyncadd.tile.s32 @!p0 $0x1;
	_ =	shalt  }
.Lfunc_end1:
_tile_overlayer_lowered:
.L_overlay_start_2:
0x43: {  	(tag) =	ssettag $0x2  }
0x44: {  	s0 =	rddreg [dreg:$0x0];
	s2 =	stileid.u32  }
0x45: {  	s1 =	rddreg [dreg:$0x1];
	p0 =	sne.s32 s2, $0x0  }
0x46: {  	s3 =	rddreg [dreg:$0x2];
	[bflag:$0x3] =	sbarrier.arrive $0xFFFF;
	s2 =	simm.s32 @!p0 $0x1C01  }
0x47: {  	[timem:s3], [sflag:s2] =	dma.local @!p0 [hbm:s0], s1  }
0x48: {  	s0 =	simm.s32 @!p0 $0x1  }
0x49: {  	_ =	swait.ge @!p0 [sflag:s0], s1  }
0x4a: {  	s1 =	ssub.s32 @!p0 $0x0, s1;
	[sflag:s0] =	ssyncset.done @!p0 $0x0  }
0x4b: {  	[sflag:s0] =	ssyncadd.s32 @!p0 s1  }
0x4c: {  	[bflag:$0x3] =	sbarrier.arrive $0xFFFF  }
0x4d: {  	_ =	shalt  }

</sc_bundles>
